<compile_context>
chip_gen: v7x
topology: tpu7x:2x2x1
jax: 0.10.2.dev20260603
libtpu: 0.0.44.dev20260713+nightly
codegen_flags: <defaults>
</compile_context>

<pallas_src>
import functools

import numpy as np
import jax
import jax.numpy as jnp
from jax import lax
from jax.experimental import pallas as pl
from jax.experimental.pallas import tpu as pltpu
from jax.experimental.pallas import tpu_sc as plsc

_H = 2048
_W = 2048
_CH = 4
_NWORK = 32
_RPW = _H // _NWORK
_NCHUNK = _W // 16

_NORM = np.sqrt(np.float32(4.0 * 4.0 + 1024.0 * 1024.0 + 1024.0 * 1024.0),
                dtype=np.float32)
_S = np.float32(np.float32(_NORM) * np.float32(0.5) / np.float32(2048.0))


def _trig_kernel(cos_ref, sin_ref, nv_ref):
    i = lax.broadcasted_iota(jnp.int32, (16, 128), 0)
    j = lax.broadcasted_iota(jnp.int32, (16, 128), 1)
    t = (i * 128 + j).astype(jnp.float32)
    ang = t * 2.0 * np.float32(np.pi) / 2048.0
    c = jnp.cos(ang)
    s = jnp.sin(ang)
    cos_ref[...] = c
    sin_ref[...] = s
    asc = jnp.abs(c) * _S
    ass = jnp.abs(s) * _S
    bx = jnp.where(asc > 0.0, 512.0 / jnp.maximum(asc, 1e-30), 3000.0)
    by = jnp.where(ass > 0.0, 2.0 / jnp.maximum(ass, 1e-30), 3000.0)
    bound = jnp.minimum(jnp.minimum(bx, by), 3000.0)
    nv_ref[...] = jnp.clip((bound * (1.0 / 16.0)).astype(jnp.int32) + 3,
                           1, _NCHUNK)


_trig = pl.pallas_call(
    _trig_kernel,
    out_shape=(jax.ShapeDtypeStruct((16, 128), jnp.float32),
               jax.ShapeDtypeStruct((16, 128), jnp.float32),
               jax.ShapeDtypeStruct((16, 128), jnp.int32)),
)

_mesh = plsc.VectorSubcoreMesh(core_axis_name="c", subcore_axis_name="s")


@functools.partial(
    pl.kernel,
    mesh=_mesh,
    out_type=jax.ShapeDtypeStruct((_CH, _H, _W), jnp.float32),
    scratch_types=[
        pltpu.VMEM((_CH, 4, 1024), jnp.float32),
        pltpu.VMEM((_RPW, 16), jnp.float32),
        pltpu.VMEM((_RPW, 16), jnp.float32),
        pltpu.VMEM((_RPW, 16), jnp.float32),
        pltpu.VMEM((2, _CH, 1, _W), jnp.float32),
        pltpu.SemaphoreType.DMA,
        pltpu.SemaphoreType.DMA,
    ],
    compiler_params=pltpu.CompilerParams(needs_layout_passes=False),
)
def _remap(data_hbm, tabs_hbm, out_hbm,
           table_v, cos_v, sin_v, nv_v, buf_v, sem0, sem1):
    wid = lax.axis_index("s") * 2 + lax.axis_index("c")
    base = wid * _RPW
    pltpu.sync_copy(data_hbm.at[:, pl.ds(0, 4), :], table_v)
    pltpu.sync_copy(tabs_hbm.at[pl.ds(base, _RPW)], cos_v)
    pltpu.sync_copy(tabs_hbm.at[pl.ds(_H + base, _RPW)], sin_v)
    pltpu.sync_copy(tabs_hbm.at[pl.ds(2 * _H + base, _RPW)], nv_v)
    iota16 = lax.iota(jnp.int32, 16)
    zeros16 = jnp.zeros((16,), jnp.float32)
    cidx = [jnp.full((16,), c, jnp.int32) for c in range(_CH)]
    sems = (sem0, sem1)

    def group(g, carry):
        carry = list(carry)
        for b in range(2):
            rl = 2 * g + b
            row = base + rl

            @pl.when(g > 0)
            def _wait():
                pltpu.make_async_copy(out_hbm.at[:, pl.ds(row, 1), :],
                                      buf_v.at[b], sems[b]).wait()

            def zchunk(k, c2):
                for c in range(_CH):
                    buf_v[b, c, 0, pl.ds(k * 16, 16)] = zeros16
                return c2

            lax.fori_loop(0, carry[b], zchunk, 0)

            cv = cos_v[rl]
            sv = sin_v[rl]
            nv = jnp.max(lax.bitcast_convert_type(nv_v[rl], jnp.int32))

            def chunk(k, c2):
                rrv = (iota16 + k * 16).astype(jnp.float32)
                rho = rrv * _S
                x = 512.0 + rho * cv
                y = 2.0 - rho * sv
                m = (x >= 0.0) & (x < 1024.0) & (y >= 0.0) & (y < 4.0)
                xi = jnp.clip(x.astype(jnp.int32), 0, 1023)
                yi = jnp.clip(y.astype(jnp.int32), 0, 3)
                for c in range(_CH):
                    val = plsc.load_gather(table_v, [cidx[c], yi, xi])
                    buf_v[b, c, 0, pl.ds(k * 16, 16)] = jnp.where(m, val, 0.0)
                return c2

            lax.fori_loop(0, nv, chunk, 0)
            pltpu.async_copy(buf_v.at[b], out_hbm.at[:, pl.ds(row, 1), :],
                             sems[b])
            carry[b] = nv
        return tuple(carry)

    lax.fori_loop(0, _RPW // 2, group,
                  (jnp.int32(_NCHUNK), jnp.int32(_NCHUNK)))
    for b in range(2):
        pltpu.make_async_copy(out_hbm.at[:, pl.ds(base, 1), :],
                              buf_v.at[b], sems[b]).wait()


def kernel(data):
    cos_t, sin_t, nv_t = _trig()
    nv_f = lax.bitcast_convert_type(nv_t, jnp.float32)
    tabs = jnp.concatenate(
        [cos_t.reshape(_H), sin_t.reshape(_H), nv_f.reshape(_H)])
    tabs_b = jnp.broadcast_to(tabs[:, None], (3 * _H, 16))
    return _remap(data, tabs_b)

# --- scband reference (transcript-rebuilt; emitter-appended) ---
"""Pipeline reference for scband-polar-10307921510685 (READ-ONLY COPY).

The authoritative reference and input builder live on the scoring server;
editing this copy changes nothing except your own understanding.
"""

import jax, jax.numpy as jnp
import numpy as np

OUTPUT_SHAPE = (2048, 2048)

def setup_inputs(seed: int = 0) -> dict:
    key = jax.random.key(seed)
    data = jax.random.normal(key, (4, 1024, 1024), dtype=jnp.float32)
    return {"data": data}

def reference(data):
    input_shape_x, input_shape_y = data.shape[1], data.shape[0]
    center_x, center_y = input_shape_x / 2, input_shape_y / 2
    MAX_R = jnp.linalg.norm(jnp.asarray(data.shape, dtype=jnp.float32)) / 2
    theta, r = jnp.meshgrid(
        jnp.arange(OUTPUT_SHAPE[0], dtype=data.dtype),
        jnp.arange(OUTPUT_SHAPE[1], dtype=data.dtype),
        indexing='ij',
    )
    theta = theta.astype(jnp.float32)
    r = r.astype(jnp.float32)
    X = center_x + r * MAX_R / OUTPUT_SHAPE[1] * jnp.cos(theta * 2 * jnp.pi / OUTPUT_SHAPE[0])
    Y = center_y - r * MAX_R / OUTPUT_SHAPE[1] * jnp.sin(theta * 2 * jnp.pi / OUTPUT_SHAPE[0])
    mask = (0 <= X) & (X < input_shape_x) & (0 <= Y) & (Y < input_shape_y)
    Yi = jnp.clip(Y.astype(jnp.int32), 0, input_shape_y - 1)
    Xi = jnp.clip(X.astype(jnp.int32), 0, input_shape_x - 1)
    gathered = data[:, Yi, Xi]
    return mask.astype(data.dtype) * gathered

if __name__ == "__main__":
    import jax
    _d = setup_inputs()
    print(jax.jit(kernel)(*tuple(_d.values())))

</pallas_src>

<mosaic_0001>
#map = affine_map<(d0, d1) -> (0, 0, 0)>
#map1 = affine_map<(d0, d1) -> (0, 0)>
module attributes {stable_mosaic.version = 14 : i64} {
  func.func @_remap(%arg0: i32, %arg1: i32, %arg2: memref<4x1024x1024xf32, #tpu.memory_space<hbm>>, %arg3: memref<6144x16xf32, #tpu.memory_space<hbm>>, %arg4: memref<4x2048x2048xf32, #tpu.memory_space<hbm>>, %arg5: memref<4x4x1024xf32, #tpu.memory_space<vmem>>, %arg6: memref<64x16xf32, #tpu.memory_space<vmem>>, %arg7: memref<64x16xf32, #tpu.memory_space<vmem>>, %arg8: memref<64x16xf32, #tpu.memory_space<vmem>>, %arg9: memref<2x4x1x2048xf32, #tpu.memory_space<vmem>>, %arg10: memref<!tpu.dma_semaphore, #tpu.memory_space<semaphore_mem>>, %arg11: memref<!tpu.dma_semaphore, #tpu.memory_space<semaphore_mem>>) attributes {dimension_semantics = [#tpu.dimension_semantics<core_parallel>, #tpu.dimension_semantics<subcore_parallel>], iteration_bounds = array<i64: 2, 16>, scalar_prefetch = 0 : i64, scratch_operands = 7 : i64, tpu.core_type = #tpu.core_type<sc_vector_subcore>, window_params = [{transform_indices = #map}, {transform_indices = #map1}, {transform_indices = #map}]} {
    %mul3A = arith.constant 2 : i32
    %mul3A_0 = arith.muli %arg1, %mul3A : i32
    %add3A = arith.addi %mul3A_0, %arg0 : i32
    %mul3A_1 = arith.constant 64 : i32
    %mul3A_2 = arith.muli %add3A, %mul3A_1 : i32
    "tpu.region"() ({
      %run_scoped3A = tpu.sem_alloc : memref<!tpu.dma_semaphore, #tpu.memory_space<semaphore_mem>>
      %dma_start3A = arith.constant 0 : i32
      %dma_start3A_56 = arith.constant 0 : i32
      %dma_start3A_57 = arith.constant 0 : i32
      %dma_start3A_58 = tpu.memref_slice %arg2[%dma_start3A, %dma_start3A_56, %dma_start3A_57] : memref<4x1024x1024xf32, #tpu.memory_space<hbm>> -> memref<4x4x1024xf32, #tpu.memory_space<hbm>>
      %dma_start3A_59 = arith.constant 0 : i32
      %dma_start3A_60 = arith.constant 0 : i32
      %dma_start3A_61 = arith.constant 0 : i32
      %dma_start3A_62 = tpu.memref_slice %arg2[%dma_start3A_59, %dma_start3A_60, %dma_start3A_61] : memref<4x1024x1024xf32, #tpu.memory_space<hbm>> -> memref<4x4x1024xf32, #tpu.memory_space<hbm>>
      tpu.enqueue_dma source(%dma_start3A_62 : memref<4x4x1024xf32, #tpu.memory_space<hbm>>) target(%arg5 : memref<4x4x1024xf32, #tpu.memory_space<vmem>>) target_semaphore(%run_scoped3A : memref<!tpu.dma_semaphore, #tpu.memory_space<semaphore_mem>>)
      %dma_wait3A_63 = arith.constant 0 : i32
      %dma_wait3A_64 = arith.constant 0 : i32
      %dma_wait3A_65 = arith.constant 0 : i32
      %dma_wait3A_66 = tpu.memref_slice %arg2[%dma_wait3A_63, %dma_wait3A_64, %dma_wait3A_65] : memref<4x1024x1024xf32, #tpu.memory_space<hbm>> -> memref<4x4x1024xf32, #tpu.memory_space<hbm>>
      %dma_wait3A_67 = arith.constant 0 : i32
      %dma_wait3A_68 = arith.constant 0 : i32
      %dma_wait3A_69 = arith.constant 0 : i32
      %dma_wait3A_70 = tpu.memref_slice %arg2[%dma_wait3A_67, %dma_wait3A_68, %dma_wait3A_69] : memref<4x1024x1024xf32, #tpu.memory_space<hbm>> -> memref<4x4x1024xf32, #tpu.memory_space<hbm>>
      tpu.wait_dma2 semaphore(%run_scoped3A : memref<!tpu.dma_semaphore, #tpu.memory_space<semaphore_mem>>) src(%dma_wait3A_70 : memref<4x4x1024xf32, #tpu.memory_space<hbm>>) dst(%arg5 : memref<4x4x1024xf32, #tpu.memory_space<vmem>>)
      tpu.yield
    }) : () -> ()
    "tpu.region"() ({
      %run_scoped3A = tpu.sem_alloc : memref<!tpu.dma_semaphore, #tpu.memory_space<semaphore_mem>>
      %dma_start3A = arith.constant 0 : i32
      %dma_start3A_56 = tpu.memref_slice %arg3[%mul3A_2, %dma_start3A] : memref<6144x16xf32, #tpu.memory_space<hbm>> -> memref<64x16xf32, #tpu.memory_space<hbm>>
      %dma_start3A_57 = arith.constant 0 : i32
      %dma_start3A_58 = tpu.memref_slice %arg3[%mul3A_2, %dma_start3A_57] : memref<6144x16xf32, #tpu.memory_space<hbm>> -> memref<64x16xf32, #tpu.memory_space<hbm>>
      tpu.enqueue_dma source(%dma_start3A_58 : memref<64x16xf32, #tpu.memory_space<hbm>>) target(%arg6 : memref<64x16xf32, #tpu.memory_space<vmem>>) target_semaphore(%run_scoped3A : memref<!tpu.dma_semaphore, #tpu.memory_space<semaphore_mem>>)
      %dma_wait3A_59 = arith.constant 0 : i32
      %dma_wait3A_60 = tpu.memref_slice %arg3[%mul3A_2, %dma_wait3A_59] : memref<6144x16xf32, #tpu.memory_space<hbm>> -> memref<64x16xf32, #tpu.memory_space<hbm>>
      %dma_wait3A_61 = arith.constant 0 : i32
      %dma_wait3A_62 = tpu.memref_slice %arg3[%mul3A_2, %dma_wait3A_61] : memref<6144x16xf32, #tpu.memory_space<hbm>> -> memref<64x16xf32, #tpu.memory_space<hbm>>
      tpu.wait_dma2 semaphore(%run_scoped3A : memref<!tpu.dma_semaphore, #tpu.memory_space<semaphore_mem>>) src(%dma_wait3A_62 : memref<64x16xf32, #tpu.memory_space<hbm>>) dst(%arg6 : memref<64x16xf32, #tpu.memory_space<vmem>>)
      tpu.yield
    }) : () -> ()
    %add3A_3 = arith.constant 2048 : i32
    %add3A_4 = arith.addi %add3A_3, %mul3A_2 : i32
    "tpu.region"() ({
      %run_scoped3A = tpu.sem_alloc : memref<!tpu.dma_semaphore, #tpu.memory_space<semaphore_mem>>
      %dma_start3A = arith.constant 0 : i32
      %dma_start3A_56 = tpu.memref_slice %arg3[%add3A_4, %dma_start3A] : memref<6144x16xf32, #tpu.memory_space<hbm>> -> memref<64x16xf32, #tpu.memory_space<hbm>>
      %dma_start3A_57 = arith.constant 0 : i32
      %dma_start3A_58 = tpu.memref_slice %arg3[%add3A_4, %dma_start3A_57] : memref<6144x16xf32, #tpu.memory_space<hbm>> -> memref<64x16xf32, #tpu.memory_space<hbm>>
      tpu.enqueue_dma source(%dma_start3A_58 : memref<64x16xf32, #tpu.memory_space<hbm>>) target(%arg7 : memref<64x16xf32, #tpu.memory_space<vmem>>) target_semaphore(%run_scoped3A : memref<!tpu.dma_semaphore, #tpu.memory_space<semaphore_mem>>)
      %dma_wait3A_59 = arith.constant 0 : i32
      %dma_wait3A_60 = tpu.memref_slice %arg3[%add3A_4, %dma_wait3A_59] : memref<6144x16xf32, #tpu.memory_space<hbm>> -> memref<64x16xf32, #tpu.memory_space<hbm>>
      %dma_wait3A_61 = arith.constant 0 : i32
      %dma_wait3A_62 = tpu.memref_slice %arg3[%add3A_4, %dma_wait3A_61] : memref<6144x16xf32, #tpu.memory_space<hbm>> -> memref<64x16xf32, #tpu.memory_space<hbm>>
      tpu.wait_dma2 semaphore(%run_scoped3A : memref<!tpu.dma_semaphore, #tpu.memory_space<semaphore_mem>>) src(%dma_wait3A_62 : memref<64x16xf32, #tpu.memory_space<hbm>>) dst(%arg7 : memref<64x16xf32, #tpu.memory_space<vmem>>)
      tpu.yield
    }) : () -> ()
    %add3A_5 = arith.constant 4096 : i32
    %add3A_6 = arith.addi %add3A_5, %mul3A_2 : i32
    "tpu.region"() ({
      %run_scoped3A = tpu.sem_alloc : memref<!tpu.dma_semaphore, #tpu.memory_space<semaphore_mem>>
      %dma_start3A = arith.constant 0 : i32
      %dma_start3A_56 = tpu.memref_slice %arg3[%add3A_6, %dma_start3A] : memref<6144x16xf32, #tpu.memory_space<hbm>> -> memref<64x16xf32, #tpu.memory_space<hbm>>
      %dma_start3A_57 = arith.constant 0 : i32
      %dma_start3A_58 = tpu.memref_slice %arg3[%add3A_6, %dma_start3A_57] : memref<6144x16xf32, #tpu.memory_space<hbm>> -> memref<64x16xf32, #tpu.memory_space<hbm>>
      tpu.enqueue_dma source(%dma_start3A_58 : memref<64x16xf32, #tpu.memory_space<hbm>>) target(%arg8 : memref<64x16xf32, #tpu.memory_space<vmem>>) target_semaphore(%run_scoped3A : memref<!tpu.dma_semaphore, #tpu.memory_space<semaphore_mem>>)
      %dma_wait3A_59 = arith.constant 0 : i32
      %dma_wait3A_60 = tpu.memref_slice %arg3[%add3A_6, %dma_wait3A_59] : memref<6144x16xf32, #tpu.memory_space<hbm>> -> memref<64x16xf32, #tpu.memory_space<hbm>>
      %dma_wait3A_61 = arith.constant 0 : i32
      %dma_wait3A_62 = tpu.memref_slice %arg3[%add3A_6, %dma_wait3A_61] : memref<6144x16xf32, #tpu.memory_space<hbm>> -> memref<64x16xf32, #tpu.memory_space<hbm>>
      tpu.wait_dma2 semaphore(%run_scoped3A : memref<!tpu.dma_semaphore, #tpu.memory_space<semaphore_mem>>) src(%dma_wait3A_62 : memref<64x16xf32, #tpu.memory_space<hbm>>) dst(%arg8 : memref<64x16xf32, #tpu.memory_space<vmem>>)
      tpu.yield
    }) : () -> ()
    %iota3A = tpu.iota {dimensions = array<i32: 0>} : vector<16xi32>
    %broadcast_in_dim3A = arith.constant 0.000000e+00 : f32
    %broadcast_in_dim3A_7 = vector.broadcast %broadcast_in_dim3A : f32 to vector<16xf32>
    %broadcast_in_dim3A_8 = arith.constant 0 : i32
    %broadcast_in_dim3A_9 = vector.broadcast %broadcast_in_dim3A_8 : i32 to vector<16xi32>
    %broadcast_in_dim3A_10 = arith.constant 1 : i32
    %broadcast_in_dim3A_11 = vector.broadcast %broadcast_in_dim3A_10 : i32 to vector<16xi32>
    %broadcast_in_dim3A_12 = arith.constant 2 : i32
    %broadcast_in_dim3A_13 = vector.broadcast %broadcast_in_dim3A_12 : i32 to vector<16xi32>
    %broadcast_in_dim3A_14 = arith.constant 3 : i32
    %broadcast_in_dim3A_15 = vector.broadcast %broadcast_in_dim3A_14 : i32 to vector<16xi32>
    %scan3A = arith.constant 128 : i32
    %scan3A_16 = arith.constant 128 : i32
    %scan3A_17 = arith.constant 0 : i32
    %scan3A_18 = arith.constant 32 : i32
    %scan3A_19 = arith.addi %scan3A_17, %scan3A_18 : i32
    %scan3A_20 = arith.constant 1 : i32
    %scan3A_21:2 = scf.for %scan3A_56 = %scan3A_17 to %scan3A_19 step %scan3A_20 iter_args(%scan3A_57 = %scan3A, %scan3A_58 = %scan3A_16) -> (i32, i32)  : i32 {
      %mul3A_59 = arith.constant 2 : i32
      %mul3A_60 = arith.muli %mul3A_59, %scan3A_56 : i32
      %add3A_61 = arith.constant 0 : i32
      %add3A_62 = arith.addi %mul3A_60, %add3A_61 : i32
      %add3A_63 = arith.addi %mul3A_2, %add3A_62 : i32
      %gt3A = arith.constant 0 : i32
      %gt3A_64 = arith.cmpi sgt, %scan3A_56, %gt3A : i32
      %convert_element_type3A = arith.extui %gt3A_64 : i1 to i32
      %cond3A = arith.constant 0 : i32
      %cond3A_65 = arith.cmpi ne, %convert_element_type3A, %cond3A : i32
      scf.if %cond3A_65 {
        %dma_wait3A_181 = arith.constant 0 : i32
        %dma_wait3A_182 = arith.constant 0 : i32
        %dma_wait3A_183 = arith.constant 0 : i32
        %dma_wait3A_184 = arith.constant 0 : i32
        %dma_wait3A_185 = tpu.memref_slice %arg9[%dma_wait3A_181, %dma_wait3A_182, %dma_wait3A_183, %dma_wait3A_184] : memref<2x4x1x2048xf32, #tpu.memory_space<vmem>> -> memref<1x4x1x2048xf32, #tpu.memory_space<vmem>>
        %dma_wait3A_186 = tpu.memref_squeeze %dma_wait3A_185 : memref<1x4x1x2048xf32, #tpu.memory_space<vmem>> -> memref<4x1x2048xf32, #tpu.memory_space<vmem>>
        %dma_wait3A_187 = arith.constant 0 : i32
        %dma_wait3A_188 = arith.constant 0 : i32
        %dma_wait3A_189 = tpu.memref_slice %arg4[%dma_wait3A_187, %add3A_63, %dma_wait3A_188] : memref<4x2048x2048xf32, #tpu.memory_space<hbm>> -> memref<4x1x2048xf32, #tpu.memory_space<hbm>>
        %dma_wait3A_190 = arith.constant 0 : i32
        %dma_wait3A_191 = arith.constant 0 : i32
        %dma_wait3A_192 = arith.constant 0 : i32
        %dma_wait3A_193 = tpu.memref_slice %arg9[%dma_wait3A_181, %dma_wait3A_190, %dma_wait3A_191, %dma_wait3A_192] : memref<2x4x1x2048xf32, #tpu.memory_space<vmem>> -> memref<1x4x1x2048xf32, #tpu.memory_space<vmem>>
        %dma_wait3A_194 = tpu.memref_squeeze %dma_wait3A_193 : memref<1x4x1x2048xf32, #tpu.memory_space<vmem>> -> memref<4x1x2048xf32, #tpu.memory_space<vmem>>
        %dma_wait3A_195 = arith.constant 0 : i32
        %dma_wait3A_196 = arith.constant 0 : i32
        %dma_wait3A_197 = tpu.memref_slice %arg4[%dma_wait3A_195, %add3A_63, %dma_wait3A_196] : memref<4x2048x2048xf32, #tpu.memory_space<hbm>> -> memref<4x1x2048xf32, #tpu.memory_space<hbm>>
        tpu.wait_dma2 semaphore(%arg10 : memref<!tpu.dma_semaphore, #tpu.memory_space<semaphore_mem>>) src(%dma_wait3A_197 : memref<4x1x2048xf32, #tpu.memory_space<hbm>>) dst(%dma_wait3A_194 : memref<4x1x2048xf32, #tpu.memory_space<vmem>>)
      } else {
      }
      %while3A = arith.constant 0 : i32
      %while3A_66 = arith.constant 0 : i32
      %while3A_67 = arith.subi %scan3A_57, %while3A_66 : i32
      %while3A_68 = arith.addi %while3A_66, %while3A_67 : i32
      %while3A_69 = arith.constant 1 : i32
      %while3A_70 = arith.divsi %while3A_67, %while3A_69 : i32
      %while3A_71 = arith.muli %while3A_70, %while3A_69 : i32
      %while3A_72 = arith.addi %while3A_66, %while3A_71 : i32
      %while3A_73 = arith.constant 1 : i32
      scf.for %while3A_181 = %while3A_66 to %while3A_72 step %while3A_73  : i32 {
        %mul3A_182 = arith.constant 16 : i32
        %mul3A_183 = arith.muli %while3A_181, %mul3A_182 : i32
        %swap3A = arith.constant 0 : i32
        %swap3A_184 = arith.constant 0 : i32
        %swap3A_185 = arith.constant 0 : i32
        %swap3A_186 = arith.index_cast %swap3A : i32 to index
        %swap3A_187 = arith.index_cast %swap3A_184 : i32 to index
        %swap3A_188 = arith.index_cast %swap3A_185 : i32 to index
        %swap3A_189 = arith.index_cast %mul3A_183 : i32 to index
        %swap3A_190 = tpu.vector_load %arg9[%swap3A_186, %swap3A_187, %swap3A_188, %swap3A_189] {strides = array<i32>} : memref<2x4x1x2048xf32, #tpu.memory_space<vmem>>, vector<16xf32>,
        tpu.vector_store %arg9[%swap3A_186, %swap3A_187, %swap3A_188, %swap3A_189], %broadcast_in_dim3A_7 {strides = array<i32>} : memref<2x4x1x2048xf32, #tpu.memory_space<vmem>>, vector<16xf32>,
        %mul3A_191 = arith.constant 16 : i32
        %mul3A_192 = arith.muli %while3A_181, %mul3A_191 : i32
        %swap3A_193 = arith.constant 0 : i32
        %swap3A_194 = arith.constant 1 : i32
        %swap3A_195 = arith.constant 0 : i32
        %swap3A_196 = arith.index_cast %swap3A_193 : i32 to index
        %swap3A_197 = arith.index_cast %swap3A_194 : i32 to index
        %swap3A_198 = arith.index_cast %swap3A_195 : i32 to index
        %swap3A_199 = arith.index_cast %mul3A_192 : i32 to index
        %swap3A_200 = tpu.vector_load %arg9[%swap3A_196, %swap3A_197, %swap3A_198, %swap3A_199] {strides = array<i32>} : memref<2x4x1x2048xf32, #tpu.memory_space<vmem>>, vector<16xf32>,
        tpu.vector_store %arg9[%swap3A_196, %swap3A_197, %swap3A_198, %swap3A_199], %broadcast_in_dim3A_7 {strides = array<i32>} : memref<2x4x1x2048xf32, #tpu.memory_space<vmem>>, vector<16xf32>,
        %mul3A_201 = arith.constant 16 : i32
        %mul3A_202 = arith.muli %while3A_181, %mul3A_201 : i32
        %swap3A_203 = arith.constant 0 : i32
        %swap3A_204 = arith.constant 2 : i32
        %swap3A_205 = arith.constant 0 : i32
        %swap3A_206 = arith.index_cast %swap3A_203 : i32 to index
        %swap3A_207 = arith.index_cast %swap3A_204 : i32 to index
        %swap3A_208 = arith.index_cast %swap3A_205 : i32 to index
        %swap3A_209 = arith.index_cast %mul3A_202 : i32 to index
        %swap3A_210 = tpu.vector_load %arg9[%swap3A_206, %swap3A_207, %swap3A_208, %swap3A_209] {strides = array<i32>} : memref<2x4x1x2048xf32, #tpu.memory_space<vmem>>, vector<16xf32>,
        tpu.vector_store %arg9[%swap3A_206, %swap3A_207, %swap3A_208, %swap3A_209], %broadcast_in_dim3A_7 {strides = array<i32>} : memref<2x4x1x2048xf32, #tpu.memory_space<vmem>>, vector<16xf32>,
        %mul3A_211 = arith.constant 16 : i32
        %mul3A_212 = arith.muli %while3A_181, %mul3A_211 : i32
        %swap3A_213 = arith.constant 0 : i32
        %swap3A_214 = arith.constant 3 : i32
        %swap3A_215 = arith.constant 0 : i32
        %swap3A_216 = arith.index_cast %swap3A_213 : i32 to index
        %swap3A_217 = arith.index_cast %swap3A_214 : i32 to index
        %swap3A_218 = arith.index_cast %swap3A_215 : i32 to index
        %swap3A_219 = arith.index_cast %mul3A_212 : i32 to index
        %swap3A_220 = tpu.vector_load %arg9[%swap3A_216, %swap3A_217, %swap3A_218, %swap3A_219] {strides = array<i32>} : memref<2x4x1x2048xf32, #tpu.memory_space<vmem>>, vector<16xf32>,
        tpu.vector_store %arg9[%swap3A_216, %swap3A_217, %swap3A_218, %swap3A_219], %broadcast_in_dim3A_7 {strides = array<i32>} : memref<2x4x1x2048xf32, #tpu.memory_space<vmem>>, vector<16xf32>,
      }
      %while3A_74 = arith.constant 1 : i32
      scf.for %while3A_181 = %while3A_72 to %while3A_68 step %while3A_74  : i32 {
        %mul3A_182 = arith.constant 16 : i32
        %mul3A_183 = arith.muli %while3A_181, %mul3A_182 : i32
        %swap3A = arith.constant 0 : i32
        %swap3A_184 = arith.constant 0 : i32
        %swap3A_185 = arith.constant 0 : i32
        %swap3A_186 = arith.index_cast %swap3A : i32 to index
        %swap3A_187 = arith.index_cast %swap3A_184 : i32 to index
        %swap3A_188 = arith.index_cast %swap3A_185 : i32 to index
        %swap3A_189 = arith.index_cast %mul3A_183 : i32 to index
        %swap3A_190 = tpu.vector_load %arg9[%swap3A_186, %swap3A_187, %swap3A_188, %swap3A_189] {strides = array<i32>} : memref<2x4x1x2048xf32, #tpu.memory_space<vmem>>, vector<16xf32>,
        tpu.vector_store %arg9[%swap3A_186, %swap3A_187, %swap3A_188, %swap3A_189], %broadcast_in_dim3A_7 {strides = array<i32>} : memref<2x4x1x2048xf32, #tpu.memory_space<vmem>>, vector<16xf32>,
        %mul3A_191 = arith.constant 16 : i32
        %mul3A_192 = arith.muli %while3A_181, %mul3A_191 : i32
        %swap3A_193 = arith.constant 0 : i32
        %swap3A_194 = arith.constant 1 : i32
        %swap3A_195 = arith.constant 0 : i32
        %swap3A_196 = arith.index_cast %swap3A_193 : i32 to index
        %swap3A_197 = arith.index_cast %swap3A_194 : i32 to index
        %swap3A_198 = arith.index_cast %swap3A_195 : i32 to index
        %swap3A_199 = arith.index_cast %mul3A_192 : i32 to index
        %swap3A_200 = tpu.vector_load %arg9[%swap3A_196, %swap3A_197, %swap3A_198, %swap3A_199] {strides = array<i32>} : memref<2x4x1x2048xf32, #tpu.memory_space<vmem>>, vector<16xf32>,
        tpu.vector_store %arg9[%swap3A_196, %swap3A_197, %swap3A_198, %swap3A_199], %broadcast_in_dim3A_7 {strides = array<i32>} : memref<2x4x1x2048xf32, #tpu.memory_space<vmem>>, vector<16xf32>,
        %mul3A_201 = arith.constant 16 : i32
        %mul3A_202 = arith.muli %while3A_181, %mul3A_201 : i32
        %swap3A_203 = arith.constant 0 : i32
        %swap3A_204 = arith.constant 2 : i32
        %swap3A_205 = arith.constant 0 : i32
        %swap3A_206 = arith.index_cast %swap3A_203 : i32 to index
        %swap3A_207 = arith.index_cast %swap3A_204 : i32 to index
        %swap3A_208 = arith.index_cast %swap3A_205 : i32 to index
        %swap3A_209 = arith.index_cast %mul3A_202 : i32 to index
        %swap3A_210 = tpu.vector_load %arg9[%swap3A_206, %swap3A_207, %swap3A_208, %swap3A_209] {strides = array<i32>} : memref<2x4x1x2048xf32, #tpu.memory_space<vmem>>, vector<16xf32>,
        tpu.vector_store %arg9[%swap3A_206, %swap3A_207, %swap3A_208, %swap3A_209], %broadcast_in_dim3A_7 {strides = array<i32>} : memref<2x4x1x2048xf32, #tpu.memory_space<vmem>>, vector<16xf32>,
        %mul3A_211 = arith.constant 16 : i32
        %mul3A_212 = arith.muli %while3A_181, %mul3A_211 : i32
        %swap3A_213 = arith.constant 0 : i32
        %swap3A_214 = arith.constant 3 : i32
        %swap3A_215 = arith.constant 0 : i32
        %swap3A_216 = arith.index_cast %swap3A_213 : i32 to index
        %swap3A_217 = arith.index_cast %swap3A_214 : i32 to index
        %swap3A_218 = arith.index_cast %swap3A_215 : i32 to index
        %swap3A_219 = arith.index_cast %mul3A_212 : i32 to index
        %swap3A_220 = tpu.vector_load %arg9[%swap3A_216, %swap3A_217, %swap3A_218, %swap3A_219] {strides = array<i32>} : memref<2x4x1x2048xf32, #tpu.memory_space<vmem>>, vector<16xf32>,
        tpu.vector_store %arg9[%swap3A_216, %swap3A_217, %swap3A_218, %swap3A_219], %broadcast_in_dim3A_7 {strides = array<i32>} : memref<2x4x1x2048xf32, #tpu.memory_space<vmem>>, vector<16xf32>,
      }
      %get3A = arith.index_cast %add3A_62 : i32 to index
      %get3A_75 = arith.constant 0 : index
      %get3A_76 = tpu.vector_load %arg6[%get3A, %get3A_75] {strides = array<i32>} : memref<64x16xf32, #tpu.memory_space<vmem>>, vector<16xf32>,
      %get3A_77 = arith.index_cast %add3A_62 : i32 to index
      %get3A_78 = arith.constant 0 : index
      %get3A_79 = tpu.vector_load %arg7[%get3A_77, %get3A_78] {strides = array<i32>} : memref<64x16xf32, #tpu.memory_space<vmem>>, vector<16xf32>,
      %get3A_80 = arith.index_cast %add3A_62 : i32 to index
      %get3A_81 = arith.constant 0 : index
      %get3A_82 = tpu.vector_load %arg8[%get3A_80, %get3A_81] {strides = array<i32>} : memref<64x16xf32, #tpu.memory_space<vmem>>, vector<16xf32>,
      %bitcast_convert_type3A = tpu.bitcast %get3A_82 : vector<16xf32> -> vector<16xi32>
      %reduce_max3A = arith.constant true
      %reduce_max3A_83 = vector.broadcast %reduce_max3A : i1 to vector<16xi1>
      %reduce_max3A_84 = arith.constant -2147483648 : i32
      %reduce_max3A_85 = vector.broadcast %reduce_max3A_84 : i32 to vector<16xi32>
      %reduce_max3A_86 = arith.xori %bitcast_convert_type3A, %reduce_max3A_85 : vector<16xi32>
      %reduce_max3A_87 = tpu.scan <max>, %reduce_max3A_86 masked %reduce_max3A_83 : vector<16xi32>, vector<16xi1> -> vector<16xi32>
      %reduce_max3A_88 = arith.xori %reduce_max3A_87, %reduce_max3A_85 : vector<16xi32>
      %reduce_max3A_89 = vector.extract %reduce_max3A_88[15] : i32 from vector<16xi32>
      %while3A_90 = arith.constant 0 : i32
      %while3A_91 = arith.constant 0 : i32
      %while3A_92 = arith.subi %reduce_max3A_89, %while3A_91 : i32
      %while3A_93 = arith.addi %while3A_91, %while3A_92 : i32
      %while3A_94 = arith.constant 1 : i32
      %while3A_95 = arith.divsi %while3A_92, %while3A_94 : i32
      %while3A_96 = arith.muli %while3A_95, %while3A_94 : i32
      %while3A_97 = arith.addi %while3A_91, %while3A_96 : i32
      %while3A_98 = arith.constant 1 : i32
      scf.for %while3A_181 = %while3A_91 to %while3A_97 step %while3A_98  : i32 {
        %mul3A_182 = arith.constant 16 : i32
        %mul3A_183 = arith.muli %while3A_181, %mul3A_182 : i32
        %add3A_184 = vector.broadcast %mul3A_183 : i32 to vector<16xi32>
        %add3A_185 = arith.addi %iota3A, %add3A_184 : vector<16xi32>
        %convert_element_type3A_186 = arith.sitofp %add3A_185 : vector<16xi32> to vector<16xf32>
        %mul3A_187 = arith.constant 0.353554726 : f32
        %mul3A_188 = vector.broadcast %mul3A_187 : f32 to vector<16xf32>
        %mul3A_189 = arith.mulf %convert_element_type3A_186, %mul3A_188 : vector<16xf32>
        %mul3A_190 = arith.mulf %mul3A_189, %get3A_76 : vector<16xf32>
        %add3A_191 = arith.constant 5.120000e+02 : f32
        %add3A_192 = vector.broadcast %add3A_191 : f32 to vector<16xf32>
        %add3A_193 = arith.addf %add3A_192, %mul3A_190 : vector<16xf32>
        %mul3A_194 = arith.mulf %mul3A_189, %get3A_79 : vector<16xf32>
        %sub3A = arith.constant 2.000000e+00 : f32
        %sub3A_195 = vector.broadcast %sub3A : f32 to vector<16xf32>
        %sub3A_196 = arith.subf %sub3A_195, %mul3A_194 : vector<16xf32>
        %ge3A = arith.constant 0.000000e+00 : f32
        %ge3A_197 = vector.broadcast %ge3A : f32 to vector<16xf32>
        %ge3A_198 = arith.cmpf oge, %add3A_193, %ge3A_197 : vector<16xf32>
        %lt3A = arith.constant 1.024000e+03 : f32
        %lt3A_199 = vector.broadcast %lt3A : f32 to vector<16xf32>
        %lt3A_200 = arith.cmpf olt, %add3A_193, %lt3A_199 : vector<16xf32>
        %and3A = arith.andi %ge3A_198, %lt3A_200 : vector<16xi1>
        %ge3A_201 = arith.constant 0.000000e+00 : f32
        %ge3A_202 = vector.broadcast %ge3A_201 : f32 to vector<16xf32>
        %ge3A_203 = arith.cmpf oge, %sub3A_196, %ge3A_202 : vector<16xf32>
        %and3A_204 = arith.andi %and3A, %ge3A_203 : vector<16xi1>
        %lt3A_205 = arith.constant 4.000000e+00 : f32
        %lt3A_206 = vector.broadcast %lt3A_205 : f32 to vector<16xf32>
        %lt3A_207 = arith.cmpf olt, %sub3A_196, %lt3A_206 : vector<16xf32>
        %and3A_208 = arith.andi %and3A_204, %lt3A_207 : vector<16xi1>
        %convert_element_type3A_209 = arith.fptosi %add3A_193 : vector<16xf32> to vector<16xi32>
        %jit3A = arith.constant 0 : i32
        %jit3A_210 = arith.constant 1023 : i32
        %max3A = vector.broadcast %jit3A : i32 to vector<16xi32>
        %max3A_211 = arith.maxsi %max3A, %convert_element_type3A_209 : vector<16xi32>
        %min3A = vector.broadcast %jit3A_210 : i32 to vector<16xi32>
        %min3A_212 = arith.minsi %min3A, %max3A_211 : vector<16xi32>
        %convert_element_type3A_213 = arith.fptosi %sub3A_196 : vector<16xf32> to vector<16xi32>
        %jit3A_214 = arith.constant 0 : i32
        %jit3A_215 = arith.constant 3 : i32
        %max3A_216 = vector.broadcast %jit3A_214 : i32 to vector<16xi32>
        %max3A_217 = arith.maxsi %max3A_216, %convert_element_type3A_213 : vector<16xi32>
        %min3A_218 = vector.broadcast %jit3A_215 : i32 to vector<16xi32>
        %min3A_219 = arith.minsi %min3A_218, %max3A_217 : vector<16xi32>
        %gather3A = tpu.vector_load_idx %arg5[%broadcast_in_dim3A_9, %min3A_219, %min3A_212] : memref<4x4x1024xf32, #tpu.memory_space<vmem>>[vector<16xi32>, vector<16xi32>, vector<16xi32>], vector<16xf32>,
        %jit3A_220 = arith.constant 0.000000e+00 : f32
        %broadcast_in_dim3A_221 = vector.broadcast %jit3A_220 : f32 to vector<16xf32>
        %select_n3A = arith.select %and3A_208, %gather3A, %broadcast_in_dim3A_221 : vector<16xi1>, vector<16xf32>
        %mul3A_222 = arith.constant 16 : i32
        %mul3A_223 = arith.muli %while3A_181, %mul3A_222 : i32
        %swap3A = arith.constant 0 : i32
        %swap3A_224 = arith.constant 0 : i32
        %swap3A_225 = arith.constant 0 : i32
        %swap3A_226 = arith.index_cast %swap3A : i32 to index
        %swap3A_227 = arith.index_cast %swap3A_224 : i32 to index
        %swap3A_228 = arith.index_cast %swap3A_225 : i32 to index
        %swap3A_229 = arith.index_cast %mul3A_223 : i32 to index
        %swap3A_230 = tpu.vector_load %arg9[%swap3A_226, %swap3A_227, %swap3A_228, %swap3A_229] {strides = array<i32>} : memref<2x4x1x2048xf32, #tpu.memory_space<vmem>>, vector<16xf32>,
        tpu.vector_store %arg9[%swap3A_226, %swap3A_227, %swap3A_228, %swap3A_229], %select_n3A {strides = array<i32>} : memref<2x4x1x2048xf32, #tpu.memory_space<vmem>>, vector<16xf32>,
        %gather3A_231 = tpu.vector_load_idx %arg5[%broadcast_in_dim3A_11, %min3A_219, %min3A_212] : memref<4x4x1024xf32, #tpu.memory_space<vmem>>[vector<16xi32>, vector<16xi32>, vector<16xi32>], vector<16xf32>,
        %jit3A_232 = arith.constant 0.000000e+00 : f32
        %broadcast_in_dim3A_233 = vector.broadcast %jit3A_232 : f32 to vector<16xf32>
        %select_n3A_234 = arith.select %and3A_208, %gather3A_231, %broadcast_in_dim3A_233 : vector<16xi1>, vector<16xf32>
        %mul3A_235 = arith.constant 16 : i32
        %mul3A_236 = arith.muli %while3A_181, %mul3A_235 : i32
        %swap3A_237 = arith.constant 0 : i32
        %swap3A_238 = arith.constant 1 : i32
        %swap3A_239 = arith.constant 0 : i32
        %swap3A_240 = arith.index_cast %swap3A_237 : i32 to index
        %swap3A_241 = arith.index_cast %swap3A_238 : i32 to index
        %swap3A_242 = arith.index_cast %swap3A_239 : i32 to index
        %swap3A_243 = arith.index_cast %mul3A_236 : i32 to index
        %swap3A_244 = tpu.vector_load %arg9[%swap3A_240, %swap3A_241, %swap3A_242, %swap3A_243] {strides = array<i32>} : memref<2x4x1x2048xf32, #tpu.memory_space<vmem>>, vector<16xf32>,
        tpu.vector_store %arg9[%swap3A_240, %swap3A_241, %swap3A_242, %swap3A_243], %select_n3A_234 {strides = array<i32>} : memref<2x4x1x2048xf32, #tpu.memory_space<vmem>>, vector<16xf32>,
        %gather3A_245 = tpu.vector_load_idx %arg5[%broadcast_in_dim3A_13, %min3A_219, %min3A_212] : memref<4x4x1024xf32, #tpu.memory_space<vmem>>[vector<16xi32>, vector<16xi32>, vector<16xi32>], vector<16xf32>,
        %jit3A_246 = arith.constant 0.000000e+00 : f32
        %broadcast_in_dim3A_247 = vector.broadcast %jit3A_246 : f32 to vector<16xf32>
        %select_n3A_248 = arith.select %and3A_208, %gather3A_245, %broadcast_in_dim3A_247 : vector<16xi1>, vector<16xf32>
        %mul3A_249 = arith.constant 16 : i32
        %mul3A_250 = arith.muli %while3A_181, %mul3A_249 : i32
        %swap3A_251 = arith.constant 0 : i32
        %swap3A_252 = arith.constant 2 : i32
        %swap3A_253 = arith.constant 0 : i32
        %swap3A_254 = arith.index_cast %swap3A_251 : i32 to index
        %swap3A_255 = arith.index_cast %swap3A_252 : i32 to index
        %swap3A_256 = arith.index_cast %swap3A_253 : i32 to index
        %swap3A_257 = arith.index_cast %mul3A_250 : i32 to index
        %swap3A_258 = tpu.vector_load %arg9[%swap3A_254, %swap3A_255, %swap3A_256, %swap3A_257] {strides = array<i32>} : memref<2x4x1x2048xf32, #tpu.memory_space<vmem>>, vector<16xf32>,
        tpu.vector_store %arg9[%swap3A_254, %swap3A_255, %swap3A_256, %swap3A_257], %select_n3A_248 {strides = array<i32>} : memref<2x4x1x2048xf32, #tpu.memory_space<vmem>>, vector<16xf32>,
        %gather3A_259 = tpu.vector_load_idx %arg5[%broadcast_in_dim3A_15, %min3A_219, %min3A_212] : memref<4x4x1024xf32, #tpu.memory_space<vmem>>[vector<16xi32>, vector<16xi32>, vector<16xi32>], vector<16xf32>,
        %jit3A_260 = arith.constant 0.000000e+00 : f32
        %broadcast_in_dim3A_261 = vector.broadcast %jit3A_260 : f32 to vector<16xf32>
        %select_n3A_262 = arith.select %and3A_208, %gather3A_259, %broadcast_in_dim3A_261 : vector<16xi1>, vector<16xf32>
        %mul3A_263 = arith.constant 16 : i32
        %mul3A_264 = arith.muli %while3A_181, %mul3A_263 : i32
        %swap3A_265 = arith.constant 0 : i32
        %swap3A_266 = arith.constant 3 : i32
        %swap3A_267 = arith.constant 0 : i32
        %swap3A_268 = arith.index_cast %swap3A_265 : i32 to index
        %swap3A_269 = arith.index_cast %swap3A_266 : i32 to index
        %swap3A_270 = arith.index_cast %swap3A_267 : i32 to index
        %swap3A_271 = arith.index_cast %mul3A_264 : i32 to index
        %swap3A_272 = tpu.vector_load %arg9[%swap3A_268, %swap3A_269, %swap3A_270, %swap3A_271] {strides = array<i32>} : memref<2x4x1x2048xf32, #tpu.memory_space<vmem>>, vector<16xf32>,
        tpu.vector_store %arg9[%swap3A_268, %swap3A_269, %swap3A_270, %swap3A_271], %select_n3A_262 {strides = array<i32>} : memref<2x4x1x2048xf32, #tpu.memory_space<vmem>>, vector<16xf32>,
      }
      %while3A_99 = arith.constant 1 : i32
      scf.for %while3A_181 = %while3A_97 to %while3A_93 step %while3A_99  : i32 {
        %mul3A_182 = arith.constant 16 : i32
        %mul3A_183 = arith.muli %while3A_181, %mul3A_182 : i32
        %add3A_184 = vector.broadcast %mul3A_183 : i32 to vector<16xi32>
        %add3A_185 = arith.addi %iota3A, %add3A_184 : vector<16xi32>
        %convert_element_type3A_186 = arith.sitofp %add3A_185 : vector<16xi32> to vector<16xf32>
        %mul3A_187 = arith.constant 0.353554726 : f32
        %mul3A_188 = vector.broadcast %mul3A_187 : f32 to vector<16xf32>
        %mul3A_189 = arith.mulf %convert_element_type3A_186, %mul3A_188 : vector<16xf32>
        %mul3A_190 = arith.mulf %mul3A_189, %get3A_76 : vector<16xf32>
        %add3A_191 = arith.constant 5.120000e+02 : f32
        %add3A_192 = vector.broadcast %add3A_191 : f32 to vector<16xf32>
        %add3A_193 = arith.addf %add3A_192, %mul3A_190 : vector<16xf32>
        %mul3A_194 = arith.mulf %mul3A_189, %get3A_79 : vector<16xf32>
        %sub3A = arith.constant 2.000000e+00 : f32
        %sub3A_195 = vector.broadcast %sub3A : f32 to vector<16xf32>
        %sub3A_196 = arith.subf %sub3A_195, %mul3A_194 : vector<16xf32>
        %ge3A = arith.constant 0.000000e+00 : f32
        %ge3A_197 = vector.broadcast %ge3A : f32 to vector<16xf32>
        %ge3A_198 = arith.cmpf oge, %add3A_193, %ge3A_197 : vector<16xf32>
        %lt3A = arith.constant 1.024000e+03 : f32
        %lt3A_199 = vector.broadcast %lt3A : f32 to vector<16xf32>
        %lt3A_200 = arith.cmpf olt, %add3A_193, %lt3A_199 : vector<16xf32>
        %and3A = arith.andi %ge3A_198, %lt3A_200 : vector<16xi1>
        %ge3A_201 = arith.constant 0.000000e+00 : f32
        %ge3A_202 = vector.broadcast %ge3A_201 : f32 to vector<16xf32>
        %ge3A_203 = arith.cmpf oge, %sub3A_196, %ge3A_202 : vector<16xf32>
        %and3A_204 = arith.andi %and3A, %ge3A_203 : vector<16xi1>
        %lt3A_205 = arith.constant 4.000000e+00 : f32
        %lt3A_206 = vector.broadcast %lt3A_205 : f32 to vector<16xf32>
        %lt3A_207 = arith.cmpf olt, %sub3A_196, %lt3A_206 : vector<16xf32>
        %and3A_208 = arith.andi %and3A_204, %lt3A_207 : vector<16xi1>
        %convert_element_type3A_209 = arith.fptosi %add3A_193 : vector<16xf32> to vector<16xi32>
        %jit3A = arith.constant 0 : i32
        %jit3A_210 = arith.constant 1023 : i32
        %max3A = vector.broadcast %jit3A : i32 to vector<16xi32>
        %max3A_211 = arith.maxsi %max3A, %convert_element_type3A_209 : vector<16xi32>
        %min3A = vector.broadcast %jit3A_210 : i32 to vector<16xi32>
        %min3A_212 = arith.minsi %min3A, %max3A_211 : vector<16xi32>
        %convert_element_type3A_213 = arith.fptosi %sub3A_196 : vector<16xf32> to vector<16xi32>
        %jit3A_214 = arith.constant 0 : i32
        %jit3A_215 = arith.constant 3 : i32
        %max3A_216 = vector.broadcast %jit3A_214 : i32 to vector<16xi32>
        %max3A_217 = arith.maxsi %max3A_216, %convert_element_type3A_213 : vector<16xi32>
        %min3A_218 = vector.broadcast %jit3A_215 : i32 to vector<16xi32>
        %min3A_219 = arith.minsi %min3A_218, %max3A_217 : vector<16xi32>
        %gather3A = tpu.vector_load_idx %arg5[%broadcast_in_dim3A_9, %min3A_219, %min3A_212] : memref<4x4x1024xf32, #tpu.memory_space<vmem>>[vector<16xi32>, vector<16xi32>, vector<16xi32>], vector<16xf32>,
        %jit3A_220 = arith.constant 0.000000e+00 : f32
        %broadcast_in_dim3A_221 = vector.broadcast %jit3A_220 : f32 to vector<16xf32>
        %select_n3A = arith.select %and3A_208, %gather3A, %broadcast_in_dim3A_221 : vector<16xi1>, vector<16xf32>
        %mul3A_222 = arith.constant 16 : i32
        %mul3A_223 = arith.muli %while3A_181, %mul3A_222 : i32
        %swap3A = arith.constant 0 : i32
        %swap3A_224 = arith.constant 0 : i32
        %swap3A_225 = arith.constant 0 : i32
        %swap3A_226 = arith.index_cast %swap3A : i32 to index
        %swap3A_227 = arith.index_cast %swap3A_224 : i32 to index
        %swap3A_228 = arith.index_cast %swap3A_225 : i32 to index
        %swap3A_229 = arith.index_cast %mul3A_223 : i32 to index
        %swap3A_230 = tpu.vector_load %arg9[%swap3A_226, %swap3A_227, %swap3A_228, %swap3A_229] {strides = array<i32>} : memref<2x4x1x2048xf32, #tpu.memory_space<vmem>>, vector<16xf32>,
        tpu.vector_store %arg9[%swap3A_226, %swap3A_227, %swap3A_228, %swap3A_229], %select_n3A {strides = array<i32>} : memref<2x4x1x2048xf32, #tpu.memory_space<vmem>>, vector<16xf32>,
        %gather3A_231 = tpu.vector_load_idx %arg5[%broadcast_in_dim3A_11, %min3A_219, %min3A_212] : memref<4x4x1024xf32, #tpu.memory_space<vmem>>[vector<16xi32>, vector<16xi32>, vector<16xi32>], vector<16xf32>,
        %jit3A_232 = arith.constant 0.000000e+00 : f32
        %broadcast_in_dim3A_233 = vector.broadcast %jit3A_232 : f32 to vector<16xf32>
        %select_n3A_234 = arith.select %and3A_208, %gather3A_231, %broadcast_in_dim3A_233 : vector<16xi1>, vector<16xf32>
        %mul3A_235 = arith.constant 16 : i32
        %mul3A_236 = arith.muli %while3A_181, %mul3A_235 : i32
        %swap3A_237 = arith.constant 0 : i32
        %swap3A_238 = arith.constant 1 : i32
        %swap3A_239 = arith.constant 0 : i32
        %swap3A_240 = arith.index_cast %swap3A_237 : i32 to index
        %swap3A_241 = arith.index_cast %swap3A_238 : i32 to index
        %swap3A_242 = arith.index_cast %swap3A_239 : i32 to index
        %swap3A_243 = arith.index_cast %mul3A_236 : i32 to index
        %swap3A_244 = tpu.vector_load %arg9[%swap3A_240, %swap3A_241, %swap3A_242, %swap3A_243] {strides = array<i32>} : memref<2x4x1x2048xf32, #tpu.memory_space<vmem>>, vector<16xf32>,
        tpu.vector_store %arg9[%swap3A_240, %swap3A_241, %swap3A_242, %swap3A_243], %select_n3A_234 {strides = array<i32>} : memref<2x4x1x2048xf32, #tpu.memory_space<vmem>>, vector<16xf32>,
        %gather3A_245 = tpu.vector_load_idx %arg5[%broadcast_in_dim3A_13, %min3A_219, %min3A_212] : memref<4x4x1024xf32, #tpu.memory_space<vmem>>[vector<16xi32>, vector<16xi32>, vector<16xi32>], vector<16xf32>,
        %jit3A_246 = arith.constant 0.000000e+00 : f32
        %broadcast_in_dim3A_247 = vector.broadcast %jit3A_246 : f32 to vector<16xf32>
        %select_n3A_248 = arith.select %and3A_208, %gather3A_245, %broadcast_in_dim3A_247 : vector<16xi1>, vector<16xf32>
        %mul3A_249 = arith.constant 16 : i32
        %mul3A_250 = arith.muli %while3A_181, %mul3A_249 : i32
        %swap3A_251 = arith.constant 0 : i32
        %swap3A_252 = arith.constant 2 : i32
        %swap3A_253 = arith.constant 0 : i32
        %swap3A_254 = arith.index_cast %swap3A_251 : i32 to index
        %swap3A_255 = arith.index_cast %swap3A_252 : i32 to index
        %swap3A_256 = arith.index_cast %swap3A_253 : i32 to index
        %swap3A_257 = arith.index_cast %mul3A_250 : i32 to index
        %swap3A_258 = tpu.vector_load %arg9[%swap3A_254, %swap3A_255, %swap3A_256, %swap3A_257] {strides = array<i32>} : memref<2x4x1x2048xf32, #tpu.memory_space<vmem>>, vector<16xf32>,
        tpu.vector_store %arg9[%swap3A_254, %swap3A_255, %swap3A_256, %swap3A_257], %select_n3A_248 {strides = array<i32>} : memref<2x4x1x2048xf32, #tpu.memory_space<vmem>>, vector<16xf32>,
        %gather3A_259 = tpu.vector_load_idx %arg5[%broadcast_in_dim3A_15, %min3A_219, %min3A_212] : memref<4x4x1024xf32, #tpu.memory_space<vmem>>[vector<16xi32>, vector<16xi32>, vector<16xi32>], vector<16xf32>,
        %jit3A_260 = arith.constant 0.000000e+00 : f32
        %broadcast_in_dim3A_261 = vector.broadcast %jit3A_260 : f32 to vector<16xf32>
        %select_n3A_262 = arith.select %and3A_208, %gather3A_259, %broadcast_in_dim3A_261 : vector<16xi1>, vector<16xf32>
        %mul3A_263 = arith.constant 16 : i32
        %mul3A_264 = arith.muli %while3A_181, %mul3A_263 : i32
        %swap3A_265 = arith.constant 0 : i32
        %swap3A_266 = arith.constant 3 : i32
        %swap3A_267 = arith.constant 0 : i32
        %swap3A_268 = arith.index_cast %swap3A_265 : i32 to index
        %swap3A_269 = arith.index_cast %swap3A_266 : i32 to index
        %swap3A_270 = arith.index_cast %swap3A_267 : i32 to index
        %swap3A_271 = arith.index_cast %mul3A_264 : i32 to index
        %swap3A_272 = tpu.vector_load %arg9[%swap3A_268, %swap3A_269, %swap3A_270, %swap3A_271] {strides = array<i32>} : memref<2x4x1x2048xf32, #tpu.memory_space<vmem>>, vector<16xf32>,
        tpu.vector_store %arg9[%swap3A_268, %swap3A_269, %swap3A_270, %swap3A_271], %select_n3A_262 {strides = array<i32>} : memref<2x4x1x2048xf32, #tpu.memory_space<vmem>>, vector<16xf32>,
      }
      %dma_start3A = arith.constant 0 : i32
      %dma_start3A_100 = arith.constant 0 : i32
      %dma_start3A_101 = arith.constant 0 : i32
      %dma_start3A_102 = arith.constant 0 : i32
      %dma_start3A_103 = tpu.memref_slice %arg9[%dma_start3A, %dma_start3A_100, %dma_start3A_101, %dma_start3A_102] : memref<2x4x1x2048xf32, #tpu.memory_space<vmem>> -> memref<1x4x1x2048xf32, #tpu.memory_space<vmem>>
      %dma_start3A_104 = tpu.memref_squeeze %dma_start3A_103 : memref<1x4x1x2048xf32, #tpu.memory_space<vmem>> -> memref<4x1x2048xf32, #tpu.memory_space<vmem>>
      %dma_start3A_105 = arith.constant 0 : i32
      %dma_start3A_106 = arith.constant 0 : i32
      %dma_start3A_107 = tpu.memref_slice %arg4[%dma_start3A_105, %add3A_63, %dma_start3A_106] : memref<4x2048x2048xf32, #tpu.memory_space<hbm>> -> memref<4x1x2048xf32, #tpu.memory_space<hbm>>
      %dma_start3A_108 = arith.constant 0 : i32
      %dma_start3A_109 = arith.constant 0 : i32
      %dma_start3A_110 = tpu.memref_slice %arg4[%dma_start3A_108, %add3A_63, %dma_start3A_109] : memref<4x2048x2048xf32, #tpu.memory_space<hbm>> -> memref<4x1x2048xf32, #tpu.memory_space<hbm>>
      %dma_start3A_111 = arith.constant 0 : i32
      %dma_start3A_112 = arith.constant 0 : i32
      %dma_start3A_113 = arith.constant 0 : i32
      %dma_start3A_114 = tpu.memref_slice %arg9[%dma_start3A, %dma_start3A_111, %dma_start3A_112, %dma_start3A_113] : memref<2x4x1x2048xf32, #tpu.memory_space<vmem>> -> memref<1x4x1x2048xf32, #tpu.memory_space<vmem>>
      %dma_start3A_115 = tpu.memref_squeeze %dma_start3A_114 : memref<1x4x1x2048xf32, #tpu.memory_space<vmem>> -> memref<4x1x2048xf32, #tpu.memory_space<vmem>>
      tpu.enqueue_dma source(%dma_start3A_115 : memref<4x1x2048xf32, #tpu.memory_space<vmem>>) target(%dma_start3A_110 : memref<4x1x2048xf32, #tpu.memory_space<hbm>>) target_semaphore(%arg10 : memref<!tpu.dma_semaphore, #tpu.memory_space<semaphore_mem>>)
      %mul3A_116 = arith.constant 2 : i32
      %mul3A_117 = arith.muli %mul3A_116, %scan3A_56 : i32
      %add3A_118 = arith.constant 1 : i32
      %add3A_119 = arith.addi %mul3A_117, %add3A_118 : i32
      %add3A_120 = arith.addi %mul3A_2, %add3A_119 : i32
      %gt3A_121 = arith.constant 0 : i32
      %gt3A_122 = arith.cmpi sgt, %scan3A_56, %gt3A_121 : i32
      %convert_element_type3A_123 = arith.extui %gt3A_122 : i1 to i32
      %cond3A_124 = arith.constant 0 : i32
      %cond3A_125 = arith.cmpi ne, %convert_element_type3A_123, %cond3A_124 : i32
      scf.if %cond3A_125 {
        %dma_wait3A_181 = arith.constant 1 : i32
        %dma_wait3A_182 = arith.constant 0 : i32
        %dma_wait3A_183 = arith.constant 0 : i32
        %dma_wait3A_184 = arith.constant 0 : i32
        %dma_wait3A_185 = tpu.memref_slice %arg9[%dma_wait3A_181, %dma_wait3A_182, %dma_wait3A_183, %dma_wait3A_184] : memref<2x4x1x2048xf32, #tpu.memory_space<vmem>> -> memref<1x4x1x2048xf32, #tpu.memory_space<vmem>>
        %dma_wait3A_186 = tpu.memref_squeeze %dma_wait3A_185 : memref<1x4x1x2048xf32, #tpu.memory_space<vmem>> -> memref<4x1x2048xf32, #tpu.memory_space<vmem>>
        %dma_wait3A_187 = arith.constant 0 : i32
        %dma_wait3A_188 = arith.constant 0 : i32
        %dma_wait3A_189 = tpu.memref_slice %arg4[%dma_wait3A_187, %add3A_120, %dma_wait3A_188] : memref<4x2048x2048xf32, #tpu.memory_space<hbm>> -> memref<4x1x2048xf32, #tpu.memory_space<hbm>>
        %dma_wait3A_190 = arith.constant 0 : i32
        %dma_wait3A_191 = arith.constant 0 : i32
        %dma_wait3A_192 = arith.constant 0 : i32
        %dma_wait3A_193 = tpu.memref_slice %arg9[%dma_wait3A_181, %dma_wait3A_190, %dma_wait3A_191, %dma_wait3A_192] : memref<2x4x1x2048xf32, #tpu.memory_space<vmem>> -> memref<1x4x1x2048xf32, #tpu.memory_space<vmem>>
        %dma_wait3A_194 = tpu.memref_squeeze %dma_wait3A_193 : memref<1x4x1x2048xf32, #tpu.memory_space<vmem>> -> memref<4x1x2048xf32, #tpu.memory_space<vmem>>
        %dma_wait3A_195 = arith.constant 0 : i32
        %dma_wait3A_196 = arith.constant 0 : i32
        %dma_wait3A_197 = tpu.memref_slice %arg4[%dma_wait3A_195, %add3A_120, %dma_wait3A_196] : memref<4x2048x2048xf32, #tpu.memory_space<hbm>> -> memref<4x1x2048xf32, #tpu.memory_space<hbm>>
        tpu.wait_dma2 semaphore(%arg11 : memref<!tpu.dma_semaphore, #tpu.memory_space<semaphore_mem>>) src(%dma_wait3A_197 : memref<4x1x2048xf32, #tpu.memory_space<hbm>>) dst(%dma_wait3A_194 : memref<4x1x2048xf32, #tpu.memory_space<vmem>>)
      } else {
      }
      %while3A_126 = arith.constant 0 : i32
      %while3A_127 = arith.constant 0 : i32
      %while3A_128 = arith.subi %scan3A_58, %while3A_127 : i32
      %while3A_129 = arith.addi %while3A_127, %while3A_128 : i32
      %while3A_130 = arith.constant 1 : i32
      %while3A_131 = arith.divsi %while3A_128, %while3A_130 : i32
      %while3A_132 = arith.muli %while3A_131, %while3A_130 : i32
      %while3A_133 = arith.addi %while3A_127, %while3A_132 : i32
      %while3A_134 = arith.constant 1 : i32
      scf.for %while3A_181 = %while3A_127 to %while3A_133 step %while3A_134  : i32 {
        %mul3A_182 = arith.constant 16 : i32
        %mul3A_183 = arith.muli %while3A_181, %mul3A_182 : i32
        %swap3A = arith.constant 1 : i32
        %swap3A_184 = arith.constant 0 : i32
        %swap3A_185 = arith.constant 0 : i32
        %swap3A_186 = arith.index_cast %swap3A : i32 to index
        %swap3A_187 = arith.index_cast %swap3A_184 : i32 to index
        %swap3A_188 = arith.index_cast %swap3A_185 : i32 to index
        %swap3A_189 = arith.index_cast %mul3A_183 : i32 to index
        %swap3A_190 = tpu.vector_load %arg9[%swap3A_186, %swap3A_187, %swap3A_188, %swap3A_189] {strides = array<i32>} : memref<2x4x1x2048xf32, #tpu.memory_space<vmem>>, vector<16xf32>,
        tpu.vector_store %arg9[%swap3A_186, %swap3A_187, %swap3A_188, %swap3A_189], %broadcast_in_dim3A_7 {strides = array<i32>} : memref<2x4x1x2048xf32, #tpu.memory_space<vmem>>, vector<16xf32>,
        %mul3A_191 = arith.constant 16 : i32
        %mul3A_192 = arith.muli %while3A_181, %mul3A_191 : i32
        %swap3A_193 = arith.constant 1 : i32
        %swap3A_194 = arith.constant 1 : i32
        %swap3A_195 = arith.constant 0 : i32
        %swap3A_196 = arith.index_cast %swap3A_193 : i32 to index
        %swap3A_197 = arith.index_cast %swap3A_194 : i32 to index
        %swap3A_198 = arith.index_cast %swap3A_195 : i32 to index
        %swap3A_199 = arith.index_cast %mul3A_192 : i32 to index
        %swap3A_200 = tpu.vector_load %arg9[%swap3A_196, %swap3A_197, %swap3A_198, %swap3A_199] {strides = array<i32>} : memref<2x4x1x2048xf32, #tpu.memory_space<vmem>>, vector<16xf32>,
        tpu.vector_store %arg9[%swap3A_196, %swap3A_197, %swap3A_198, %swap3A_199], %broadcast_in_dim3A_7 {strides = array<i32>} : memref<2x4x1x2048xf32, #tpu.memory_space<vmem>>, vector<16xf32>,
        %mul3A_201 = arith.constant 16 : i32
        %mul3A_202 = arith.muli %while3A_181, %mul3A_201 : i32
        %swap3A_203 = arith.constant 1 : i32
        %swap3A_204 = arith.constant 2 : i32
        %swap3A_205 = arith.constant 0 : i32
        %swap3A_206 = arith.index_cast %swap3A_203 : i32 to index
        %swap3A_207 = arith.index_cast %swap3A_204 : i32 to index
        %swap3A_208 = arith.index_cast %swap3A_205 : i32 to index
        %swap3A_209 = arith.index_cast %mul3A_202 : i32 to index
        %swap3A_210 = tpu.vector_load %arg9[%swap3A_206, %swap3A_207, %swap3A_208, %swap3A_209] {strides = array<i32>} : memref<2x4x1x2048xf32, #tpu.memory_space<vmem>>, vector<16xf32>,
        tpu.vector_store %arg9[%swap3A_206, %swap3A_207, %swap3A_208, %swap3A_209], %broadcast_in_dim3A_7 {strides = array<i32>} : memref<2x4x1x2048xf32, #tpu.memory_space<vmem>>, vector<16xf32>,
        %mul3A_211 = arith.constant 16 : i32
        %mul3A_212 = arith.muli %while3A_181, %mul3A_211 : i32
        %swap3A_213 = arith.constant 1 : i32
        %swap3A_214 = arith.constant 3 : i32
        %swap3A_215 = arith.constant 0 : i32
        %swap3A_216 = arith.index_cast %swap3A_213 : i32 to index
        %swap3A_217 = arith.index_cast %swap3A_214 : i32 to index
        %swap3A_218 = arith.index_cast %swap3A_215 : i32 to index
        %swap3A_219 = arith.index_cast %mul3A_212 : i32 to index
        %swap3A_220 = tpu.vector_load %arg9[%swap3A_216, %swap3A_217, %swap3A_218, %swap3A_219] {strides = array<i32>} : memref<2x4x1x2048xf32, #tpu.memory_space<vmem>>, vector<16xf32>,
        tpu.vector_store %arg9[%swap3A_216, %swap3A_217, %swap3A_218, %swap3A_219], %broadcast_in_dim3A_7 {strides = array<i32>} : memref<2x4x1x2048xf32, #tpu.memory_space<vmem>>, vector<16xf32>,
      }
      %while3A_135 = arith.constant 1 : i32
      scf.for %while3A_181 = %while3A_133 to %while3A_129 step %while3A_135  : i32 {
        %mul3A_182 = arith.constant 16 : i32
        %mul3A_183 = arith.muli %while3A_181, %mul3A_182 : i32
        %swap3A = arith.constant 1 : i32
        %swap3A_184 = arith.constant 0 : i32
        %swap3A_185 = arith.constant 0 : i32
        %swap3A_186 = arith.index_cast %swap3A : i32 to index
        %swap3A_187 = arith.index_cast %swap3A_184 : i32 to index
        %swap3A_188 = arith.index_cast %swap3A_185 : i32 to index
        %swap3A_189 = arith.index_cast %mul3A_183 : i32 to index
        %swap3A_190 = tpu.vector_load %arg9[%swap3A_186, %swap3A_187, %swap3A_188, %swap3A_189] {strides = array<i32>} : memref<2x4x1x2048xf32, #tpu.memory_space<vmem>>, vector<16xf32>,
        tpu.vector_store %arg9[%swap3A_186, %swap3A_187, %swap3A_188, %swap3A_189], %broadcast_in_dim3A_7 {strides = array<i32>} : memref<2x4x1x2048xf32, #tpu.memory_space<vmem>>, vector<16xf32>,
        %mul3A_191 = arith.constant 16 : i32
        %mul3A_192 = arith.muli %while3A_181, %mul3A_191 : i32
        %swap3A_193 = arith.constant 1 : i32
        %swap3A_194 = arith.constant 1 : i32
        %swap3A_195 = arith.constant 0 : i32
        %swap3A_196 = arith.index_cast %swap3A_193 : i32 to index
        %swap3A_197 = arith.index_cast %swap3A_194 : i32 to index
        %swap3A_198 = arith.index_cast %swap3A_195 : i32 to index
        %swap3A_199 = arith.index_cast %mul3A_192 : i32 to index
        %swap3A_200 = tpu.vector_load %arg9[%swap3A_196, %swap3A_197, %swap3A_198, %swap3A_199] {strides = array<i32>} : memref<2x4x1x2048xf32, #tpu.memory_space<vmem>>, vector<16xf32>,
        tpu.vector_store %arg9[%swap3A_196, %swap3A_197, %swap3A_198, %swap3A_199], %broadcast_in_dim3A_7 {strides = array<i32>} : memref<2x4x1x2048xf32, #tpu.memory_space<vmem>>, vector<16xf32>,
        %mul3A_201 = arith.constant 16 : i32
        %mul3A_202 = arith.muli %while3A_181, %mul3A_201 : i32
        %swap3A_203 = arith.constant 1 : i32
        %swap3A_204 = arith.constant 2 : i32
        %swap3A_205 = arith.constant 0 : i32
        %swap3A_206 = arith.index_cast %swap3A_203 : i32 to index
        %swap3A_207 = arith.index_cast %swap3A_204 : i32 to index
        %swap3A_208 = arith.index_cast %swap3A_205 : i32 to index
        %swap3A_209 = arith.index_cast %mul3A_202 : i32 to index
        %swap3A_210 = tpu.vector_load %arg9[%swap3A_206, %swap3A_207, %swap3A_208, %swap3A_209] {strides = array<i32>} : memref<2x4x1x2048xf32, #tpu.memory_space<vmem>>, vector<16xf32>,
        tpu.vector_store %arg9[%swap3A_206, %swap3A_207, %swap3A_208, %swap3A_209], %broadcast_in_dim3A_7 {strides = array<i32>} : memref<2x4x1x2048xf32, #tpu.memory_space<vmem>>, vector<16xf32>,
        %mul3A_211 = arith.constant 16 : i32
        %mul3A_212 = arith.muli %while3A_181, %mul3A_211 : i32
        %swap3A_213 = arith.constant 1 : i32
        %swap3A_214 = arith.constant 3 : i32
        %swap3A_215 = arith.constant 0 : i32
        %swap3A_216 = arith.index_cast %swap3A_213 : i32 to index
        %swap3A_217 = arith.index_cast %swap3A_214 : i32 to index
        %swap3A_218 = arith.index_cast %swap3A_215 : i32 to index
        %swap3A_219 = arith.index_cast %mul3A_212 : i32 to index
        %swap3A_220 = tpu.vector_load %arg9[%swap3A_216, %swap3A_217, %swap3A_218, %swap3A_219] {strides = array<i32>} : memref<2x4x1x2048xf32, #tpu.memory_space<vmem>>, vector<16xf32>,
        tpu.vector_store %arg9[%swap3A_216, %swap3A_217, %swap3A_218, %swap3A_219], %broadcast_in_dim3A_7 {strides = array<i32>} : memref<2x4x1x2048xf32, #tpu.memory_space<vmem>>, vector<16xf32>,
      }
      %get3A_136 = arith.index_cast %add3A_119 : i32 to index
      %get3A_137 = arith.constant 0 : index
      %get3A_138 = tpu.vector_load %arg6[%get3A_136, %get3A_137] {strides = array<i32>} : memref<64x16xf32, #tpu.memory_space<vmem>>, vector<16xf32>,
      %get3A_139 = arith.index_cast %add3A_119 : i32 to index
      %get3A_140 = arith.constant 0 : index
      %get3A_141 = tpu.vector_load %arg7[%get3A_139, %get3A_140] {strides = array<i32>} : memref<64x16xf32, #tpu.memory_space<vmem>>, vector<16xf32>,
      %get3A_142 = arith.index_cast %add3A_119 : i32 to index
      %get3A_143 = arith.constant 0 : index
      %get3A_144 = tpu.vector_load %arg8[%get3A_142, %get3A_143] {strides = array<i32>} : memref<64x16xf32, #tpu.memory_space<vmem>>, vector<16xf32>,
      %bitcast_convert_type3A_145 = tpu.bitcast %get3A_144 : vector<16xf32> -> vector<16xi32>
      %reduce_max3A_146 = arith.constant true
      %reduce_max3A_147 = vector.broadcast %reduce_max3A_146 : i1 to vector<16xi1>
      %reduce_max3A_148 = arith.constant -2147483648 : i32
      %reduce_max3A_149 = vector.broadcast %reduce_max3A_148 : i32 to vector<16xi32>
      %reduce_max3A_150 = arith.xori %bitcast_convert_type3A_145, %reduce_max3A_149 : vector<16xi32>
      %reduce_max3A_151 = tpu.scan <max>, %reduce_max3A_150 masked %reduce_max3A_147 : vector<16xi32>, vector<16xi1> -> vector<16xi32>
      %reduce_max3A_152 = arith.xori %reduce_max3A_151, %reduce_max3A_149 : vector<16xi32>
      %reduce_max3A_153 = vector.extract %reduce_max3A_152[15] : i32 from vector<16xi32>
      %while3A_154 = arith.constant 0 : i32
      %while3A_155 = arith.constant 0 : i32
      %while3A_156 = arith.subi %reduce_max3A_153, %while3A_155 : i32
      %while3A_157 = arith.addi %while3A_155, %while3A_156 : i32
      %while3A_158 = arith.constant 1 : i32
      %while3A_159 = arith.divsi %while3A_156, %while3A_158 : i32
      %while3A_160 = arith.muli %while3A_159, %while3A_158 : i32
      %while3A_161 = arith.addi %while3A_155, %while3A_160 : i32
      %while3A_162 = arith.constant 1 : i32
      scf.for %while3A_181 = %while3A_155 to %while3A_161 step %while3A_162  : i32 {
        %mul3A_182 = arith.constant 16 : i32
        %mul3A_183 = arith.muli %while3A_181, %mul3A_182 : i32
        %add3A_184 = vector.broadcast %mul3A_183 : i32 to vector<16xi32>
        %add3A_185 = arith.addi %iota3A, %add3A_184 : vector<16xi32>
        %convert_element_type3A_186 = arith.sitofp %add3A_185 : vector<16xi32> to vector<16xf32>
        %mul3A_187 = arith.constant 0.353554726 : f32
        %mul3A_188 = vector.broadcast %mul3A_187 : f32 to vector<16xf32>
        %mul3A_189 = arith.mulf %convert_element_type3A_186, %mul3A_188 : vector<16xf32>
        %mul3A_190 = arith.mulf %mul3A_189, %get3A_138 : vector<16xf32>
        %add3A_191 = arith.constant 5.120000e+02 : f32
        %add3A_192 = vector.broadcast %add3A_191 : f32 to vector<16xf32>
        %add3A_193 = arith.addf %add3A_192, %mul3A_190 : vector<16xf32>
        %mul3A_194 = arith.mulf %mul3A_189, %get3A_141 : vector<16xf32>
        %sub3A = arith.constant 2.000000e+00 : f32
        %sub3A_195 = vector.broadcast %sub3A : f32 to vector<16xf32>
        %sub3A_196 = arith.subf %sub3A_195, %mul3A_194 : vector<16xf32>
        %ge3A = arith.constant 0.000000e+00 : f32
        %ge3A_197 = vector.broadcast %ge3A : f32 to vector<16xf32>
        %ge3A_198 = arith.cmpf oge, %add3A_193, %ge3A_197 : vector<16xf32>
        %lt3A = arith.constant 1.024000e+03 : f32
        %lt3A_199 = vector.broadcast %lt3A : f32 to vector<16xf32>
        %lt3A_200 = arith.cmpf olt, %add3A_193, %lt3A_199 : vector<16xf32>
        %and3A = arith.andi %ge3A_198, %lt3A_200 : vector<16xi1>
        %ge3A_201 = arith.constant 0.000000e+00 : f32
        %ge3A_202 = vector.broadcast %ge3A_201 : f32 to vector<16xf32>
        %ge3A_203 = arith.cmpf oge, %sub3A_196, %ge3A_202 : vector<16xf32>
        %and3A_204 = arith.andi %and3A, %ge3A_203 : vector<16xi1>
        %lt3A_205 = arith.constant 4.000000e+00 : f32
        %lt3A_206 = vector.broadcast %lt3A_205 : f32 to vector<16xf32>
        %lt3A_207 = arith.cmpf olt, %sub3A_196, %lt3A_206 : vector<16xf32>
        %and3A_208 = arith.andi %and3A_204, %lt3A_207 : vector<16xi1>
        %convert_element_type3A_209 = arith.fptosi %add3A_193 : vector<16xf32> to vector<16xi32>
        %jit3A = arith.constant 0 : i32
        %jit3A_210 = arith.constant 1023 : i32
        %max3A = vector.broadcast %jit3A : i32 to vector<16xi32>
        %max3A_211 = arith.maxsi %max3A, %convert_element_type3A_209 : vector<16xi32>
        %min3A = vector.broadcast %jit3A_210 : i32 to vector<16xi32>
        %min3A_212 = arith.minsi %min3A, %max3A_211 : vector<16xi32>
        %convert_element_type3A_213 = arith.fptosi %sub3A_196 : vector<16xf32> to vector<16xi32>
        %jit3A_214 = arith.constant 0 : i32
        %jit3A_215 = arith.constant 3 : i32
        %max3A_216 = vector.broadcast %jit3A_214 : i32 to vector<16xi32>
        %max3A_217 = arith.maxsi %max3A_216, %convert_element_type3A_213 : vector<16xi32>
        %min3A_218 = vector.broadcast %jit3A_215 : i32 to vector<16xi32>
        %min3A_219 = arith.minsi %min3A_218, %max3A_217 : vector<16xi32>
        %gather3A = tpu.vector_load_idx %arg5[%broadcast_in_dim3A_9, %min3A_219, %min3A_212] : memref<4x4x1024xf32, #tpu.memory_space<vmem>>[vector<16xi32>, vector<16xi32>, vector<16xi32>], vector<16xf32>,
        %jit3A_220 = arith.constant 0.000000e+00 : f32
        %broadcast_in_dim3A_221 = vector.broadcast %jit3A_220 : f32 to vector<16xf32>
        %select_n3A = arith.select %and3A_208, %gather3A, %broadcast_in_dim3A_221 : vector<16xi1>, vector<16xf32>
        %mul3A_222 = arith.constant 16 : i32
        %mul3A_223 = arith.muli %while3A_181, %mul3A_222 : i32
        %swap3A = arith.constant 1 : i32
        %swap3A_224 = arith.constant 0 : i32
        %swap3A_225 = arith.constant 0 : i32
        %swap3A_226 = arith.index_cast %swap3A : i32 to index
        %swap3A_227 = arith.index_cast %swap3A_224 : i32 to index
        %swap3A_228 = arith.index_cast %swap3A_225 : i32 to index
        %swap3A_229 = arith.index_cast %mul3A_223 : i32 to index
        %swap3A_230 = tpu.vector_load %arg9[%swap3A_226, %swap3A_227, %swap3A_228, %swap3A_229] {strides = array<i32>} : memref<2x4x1x2048xf32, #tpu.memory_space<vmem>>, vector<16xf32>,
        tpu.vector_store %arg9[%swap3A_226, %swap3A_227, %swap3A_228, %swap3A_229], %select_n3A {strides = array<i32>} : memref<2x4x1x2048xf32, #tpu.memory_space<vmem>>, vector<16xf32>,
        %gather3A_231 = tpu.vector_load_idx %arg5[%broadcast_in_dim3A_11, %min3A_219, %min3A_212] : memref<4x4x1024xf32, #tpu.memory_space<vmem>>[vector<16xi32>, vector<16xi32>, vector<16xi32>], vector<16xf32>,
        %jit3A_232 = arith.constant 0.000000e+00 : f32
        %broadcast_in_dim3A_233 = vector.broadcast %jit3A_232 : f32 to vector<16xf32>
        %select_n3A_234 = arith.select %and3A_208, %gather3A_231, %broadcast_in_dim3A_233 : vector<16xi1>, vector<16xf32>
        %mul3A_235 = arith.constant 16 : i32
        %mul3A_236 = arith.muli %while3A_181, %mul3A_235 : i32
        %swap3A_237 = arith.constant 1 : i32
        %swap3A_238 = arith.constant 1 : i32
        %swap3A_239 = arith.constant 0 : i32
        %swap3A_240 = arith.index_cast %swap3A_237 : i32 to index
        %swap3A_241 = arith.index_cast %swap3A_238 : i32 to index
        %swap3A_242 = arith.index_cast %swap3A_239 : i32 to index
        %swap3A_243 = arith.index_cast %mul3A_236 : i32 to index
        %swap3A_244 = tpu.vector_load %arg9[%swap3A_240, %swap3A_241, %swap3A_242, %swap3A_243] {strides = array<i32>} : memref<2x4x1x2048xf32, #tpu.memory_space<vmem>>, vector<16xf32>,
        tpu.vector_store %arg9[%swap3A_240, %swap3A_241, %swap3A_242, %swap3A_243], %select_n3A_234 {strides = array<i32>} : memref<2x4x1x2048xf32, #tpu.memory_space<vmem>>, vector<16xf32>,
        %gather3A_245 = tpu.vector_load_idx %arg5[%broadcast_in_dim3A_13, %min3A_219, %min3A_212] : memref<4x4x1024xf32, #tpu.memory_space<vmem>>[vector<16xi32>, vector<16xi32>, vector<16xi32>], vector<16xf32>,
        %jit3A_246 = arith.constant 0.000000e+00 : f32
        %broadcast_in_dim3A_247 = vector.broadcast %jit3A_246 : f32 to vector<16xf32>
        %select_n3A_248 = arith.select %and3A_208, %gather3A_245, %broadcast_in_dim3A_247 : vector<16xi1>, vector<16xf32>
        %mul3A_249 = arith.constant 16 : i32
        %mul3A_250 = arith.muli %while3A_181, %mul3A_249 : i32
        %swap3A_251 = arith.constant 1 : i32
        %swap3A_252 = arith.constant 2 : i32
        %swap3A_253 = arith.constant 0 : i32
        %swap3A_254 = arith.index_cast %swap3A_251 : i32 to index
        %swap3A_255 = arith.index_cast %swap3A_252 : i32 to index
        %swap3A_256 = arith.index_cast %swap3A_253 : i32 to index
        %swap3A_257 = arith.index_cast %mul3A_250 : i32 to index
        %swap3A_258 = tpu.vector_load %arg9[%swap3A_254, %swap3A_255, %swap3A_256, %swap3A_257] {strides = array<i32>} : memref<2x4x1x2048xf32, #tpu.memory_space<vmem>>, vector<16xf32>,
        tpu.vector_store %arg9[%swap3A_254, %swap3A_255, %swap3A_256, %swap3A_257], %select_n3A_248 {strides = array<i32>} : memref<2x4x1x2048xf32, #tpu.memory_space<vmem>>, vector<16xf32>,
        %gather3A_259 = tpu.vector_load_idx %arg5[%broadcast_in_dim3A_15, %min3A_219, %min3A_212] : memref<4x4x1024xf32, #tpu.memory_space<vmem>>[vector<16xi32>, vector<16xi32>, vector<16xi32>], vector<16xf32>,
        %jit3A_260 = arith.constant 0.000000e+00 : f32
        %broadcast_in_dim3A_261 = vector.broadcast %jit3A_260 : f32 to vector<16xf32>
        %select_n3A_262 = arith.select %and3A_208, %gather3A_259, %broadcast_in_dim3A_261 : vector<16xi1>, vector<16xf32>
        %mul3A_263 = arith.constant 16 : i32
        %mul3A_264 = arith.muli %while3A_181, %mul3A_263 : i32
        %swap3A_265 = arith.constant 1 : i32
        %swap3A_266 = arith.constant 3 : i32
        %swap3A_267 = arith.constant 0 : i32
        %swap3A_268 = arith.index_cast %swap3A_265 : i32 to index
        %swap3A_269 = arith.index_cast %swap3A_266 : i32 to index
        %swap3A_270 = arith.index_cast %swap3A_267 : i32 to index
        %swap3A_271 = arith.index_cast %mul3A_264 : i32 to index
        %swap3A_272 = tpu.vector_load %arg9[%swap3A_268, %swap3A_269, %swap3A_270, %swap3A_271] {strides = array<i32>} : memref<2x4x1x2048xf32, #tpu.memory_space<vmem>>, vector<16xf32>,
        tpu.vector_store %arg9[%swap3A_268, %swap3A_269, %swap3A_270, %swap3A_271], %select_n3A_262 {strides = array<i32>} : memref<2x4x1x2048xf32, #tpu.memory_space<vmem>>, vector<16xf32>,
      }
      %while3A_163 = arith.constant 1 : i32
      scf.for %while3A_181 = %while3A_161 to %while3A_157 step %while3A_163  : i32 {
        %mul3A_182 = arith.constant 16 : i32
        %mul3A_183 = arith.muli %while3A_181, %mul3A_182 : i32
        %add3A_184 = vector.broadcast %mul3A_183 : i32 to vector<16xi32>
        %add3A_185 = arith.addi %iota3A, %add3A_184 : vector<16xi32>
        %convert_element_type3A_186 = arith.sitofp %add3A_185 : vector<16xi32> to vector<16xf32>
        %mul3A_187 = arith.constant 0.353554726 : f32
        %mul3A_188 = vector.broadcast %mul3A_187 : f32 to vector<16xf32>
        %mul3A_189 = arith.mulf %convert_element_type3A_186, %mul3A_188 : vector<16xf32>
        %mul3A_190 = arith.mulf %mul3A_189, %get3A_138 : vector<16xf32>
        %add3A_191 = arith.constant 5.120000e+02 : f32
        %add3A_192 = vector.broadcast %add3A_191 : f32 to vector<16xf32>
        %add3A_193 = arith.addf %add3A_192, %mul3A_190 : vector<16xf32>
        %mul3A_194 = arith.mulf %mul3A_189, %get3A_141 : vector<16xf32>
        %sub3A = arith.constant 2.000000e+00 : f32
        %sub3A_195 = vector.broadcast %sub3A : f32 to vector<16xf32>
        %sub3A_196 = arith.subf %sub3A_195, %mul3A_194 : vector<16xf32>
        %ge3A = arith.constant 0.000000e+00 : f32
        %ge3A_197 = vector.broadcast %ge3A : f32 to vector<16xf32>
        %ge3A_198 = arith.cmpf oge, %add3A_193, %ge3A_197 : vector<16xf32>
        %lt3A = arith.constant 1.024000e+03 : f32
        %lt3A_199 = vector.broadcast %lt3A : f32 to vector<16xf32>
        %lt3A_200 = arith.cmpf olt, %add3A_193, %lt3A_199 : vector<16xf32>
        %and3A = arith.andi %ge3A_198, %lt3A_200 : vector<16xi1>
        %ge3A_201 = arith.constant 0.000000e+00 : f32
        %ge3A_202 = vector.broadcast %ge3A_201 : f32 to vector<16xf32>
        %ge3A_203 = arith.cmpf oge, %sub3A_196, %ge3A_202 : vector<16xf32>
        %and3A_204 = arith.andi %and3A, %ge3A_203 : vector<16xi1>
        %lt3A_205 = arith.constant 4.000000e+00 : f32
        %lt3A_206 = vector.broadcast %lt3A_205 : f32 to vector<16xf32>
        %lt3A_207 = arith.cmpf olt, %sub3A_196, %lt3A_206 : vector<16xf32>
        %and3A_208 = arith.andi %and3A_204, %lt3A_207 : vector<16xi1>
        %convert_element_type3A_209 = arith.fptosi %add3A_193 : vector<16xf32> to vector<16xi32>
        %jit3A = arith.constant 0 : i32
        %jit3A_210 = arith.constant 1023 : i32
        %max3A = vector.broadcast %jit3A : i32 to vector<16xi32>
        %max3A_211 = arith.maxsi %max3A, %convert_element_type3A_209 : vector<16xi32>
        %min3A = vector.broadcast %jit3A_210 : i32 to vector<16xi32>
        %min3A_212 = arith.minsi %min3A, %max3A_211 : vector<16xi32>
        %convert_element_type3A_213 = arith.fptosi %sub3A_196 : vector<16xf32> to vector<16xi32>
        %jit3A_214 = arith.constant 0 : i32
        %jit3A_215 = arith.constant 3 : i32
        %max3A_216 = vector.broadcast %jit3A_214 : i32 to vector<16xi32>
        %max3A_217 = arith.maxsi %max3A_216, %convert_element_type3A_213 : vector<16xi32>
        %min3A_218 = vector.broadcast %jit3A_215 : i32 to vector<16xi32>
        %min3A_219 = arith.minsi %min3A_218, %max3A_217 : vector<16xi32>
        %gather3A = tpu.vector_load_idx %arg5[%broadcast_in_dim3A_9, %min3A_219, %min3A_212] : memref<4x4x1024xf32, #tpu.memory_space<vmem>>[vector<16xi32>, vector<16xi32>, vector<16xi32>], vector<16xf32>,
        %jit3A_220 = arith.constant 0.000000e+00 : f32
        %broadcast_in_dim3A_221 = vector.broadcast %jit3A_220 : f32 to vector<16xf32>
        %select_n3A = arith.select %and3A_208, %gather3A, %broadcast_in_dim3A_221 : vector<16xi1>, vector<16xf32>
        %mul3A_222 = arith.constant 16 : i32
        %mul3A_223 = arith.muli %while3A_181, %mul3A_222 : i32
        %swap3A = arith.constant 1 : i32
        %swap3A_224 = arith.constant 0 : i32
        %swap3A_225 = arith.constant 0 : i32
        %swap3A_226 = arith.index_cast %swap3A : i32 to index
        %swap3A_227 = arith.index_cast %swap3A_224 : i32 to index
        %swap3A_228 = arith.index_cast %swap3A_225 : i32 to index
        %swap3A_229 = arith.index_cast %mul3A_223 : i32 to index
        %swap3A_230 = tpu.vector_load %arg9[%swap3A_226, %swap3A_227, %swap3A_228, %swap3A_229] {strides = array<i32>} : memref<2x4x1x2048xf32, #tpu.memory_space<vmem>>, vector<16xf32>,
        tpu.vector_store %arg9[%swap3A_226, %swap3A_227, %swap3A_228, %swap3A_229], %select_n3A {strides = array<i32>} : memref<2x4x1x2048xf32, #tpu.memory_space<vmem>>, vector<16xf32>,
        %gather3A_231 = tpu.vector_load_idx %arg5[%broadcast_in_dim3A_11, %min3A_219, %min3A_212] : memref<4x4x1024xf32, #tpu.memory_space<vmem>>[vector<16xi32>, vector<16xi32>, vector<16xi32>], vector<16xf32>,
        %jit3A_232 = arith.constant 0.000000e+00 : f32
        %broadcast_in_dim3A_233 = vector.broadcast %jit3A_232 : f32 to vector<16xf32>
        %select_n3A_234 = arith.select %and3A_208, %gather3A_231, %broadcast_in_dim3A_233 : vector<16xi1>, vector<16xf32>
        %mul3A_235 = arith.constant 16 : i32
        %mul3A_236 = arith.muli %while3A_181, %mul3A_235 : i32
        %swap3A_237 = arith.constant 1 : i32
        %swap3A_238 = arith.constant 1 : i32
        %swap3A_239 = arith.constant 0 : i32
        %swap3A_240 = arith.index_cast %swap3A_237 : i32 to index
        %swap3A_241 = arith.index_cast %swap3A_238 : i32 to index
        %swap3A_242 = arith.index_cast %swap3A_239 : i32 to index
        %swap3A_243 = arith.index_cast %mul3A_236 : i32 to index
        %swap3A_244 = tpu.vector_load %arg9[%swap3A_240, %swap3A_241, %swap3A_242, %swap3A_243] {strides = array<i32>} : memref<2x4x1x2048xf32, #tpu.memory_space<vmem>>, vector<16xf32>,
        tpu.vector_store %arg9[%swap3A_240, %swap3A_241, %swap3A_242, %swap3A_243], %select_n3A_234 {strides = array<i32>} : memref<2x4x1x2048xf32, #tpu.memory_space<vmem>>, vector<16xf32>,
        %gather3A_245 = tpu.vector_load_idx %arg5[%broadcast_in_dim3A_13, %min3A_219, %min3A_212] : memref<4x4x1024xf32, #tpu.memory_space<vmem>>[vector<16xi32>, vector<16xi32>, vector<16xi32>], vector<16xf32>,
        %jit3A_246 = arith.constant 0.000000e+00 : f32
        %broadcast_in_dim3A_247 = vector.broadcast %jit3A_246 : f32 to vector<16xf32>
        %select_n3A_248 = arith.select %and3A_208, %gather3A_245, %broadcast_in_dim3A_247 : vector<16xi1>, vector<16xf32>
        %mul3A_249 = arith.constant 16 : i32
        %mul3A_250 = arith.muli %while3A_181, %mul3A_249 : i32
        %swap3A_251 = arith.constant 1 : i32
        %swap3A_252 = arith.constant 2 : i32
        %swap3A_253 = arith.constant 0 : i32
        %swap3A_254 = arith.index_cast %swap3A_251 : i32 to index
        %swap3A_255 = arith.index_cast %swap3A_252 : i32 to index
        %swap3A_256 = arith.index_cast %swap3A_253 : i32 to index
        %swap3A_257 = arith.index_cast %mul3A_250 : i32 to index
        %swap3A_258 = tpu.vector_load %arg9[%swap3A_254, %swap3A_255, %swap3A_256, %swap3A_257] {strides = array<i32>} : memref<2x4x1x2048xf32, #tpu.memory_space<vmem>>, vector<16xf32>,
        tpu.vector_store %arg9[%swap3A_254, %swap3A_255, %swap3A_256, %swap3A_257], %select_n3A_248 {strides = array<i32>} : memref<2x4x1x2048xf32, #tpu.memory_space<vmem>>, vector<16xf32>,
        %gather3A_259 = tpu.vector_load_idx %arg5[%broadcast_in_dim3A_15, %min3A_219, %min3A_212] : memref<4x4x1024xf32, #tpu.memory_space<vmem>>[vector<16xi32>, vector<16xi32>, vector<16xi32>], vector<16xf32>,
        %jit3A_260 = arith.constant 0.000000e+00 : f32
        %broadcast_in_dim3A_261 = vector.broadcast %jit3A_260 : f32 to vector<16xf32>
        %select_n3A_262 = arith.select %and3A_208, %gather3A_259, %broadcast_in_dim3A_261 : vector<16xi1>, vector<16xf32>
        %mul3A_263 = arith.constant 16 : i32
        %mul3A_264 = arith.muli %while3A_181, %mul3A_263 : i32
        %swap3A_265 = arith.constant 1 : i32
        %swap3A_266 = arith.constant 3 : i32
        %swap3A_267 = arith.constant 0 : i32
        %swap3A_268 = arith.index_cast %swap3A_265 : i32 to index
        %swap3A_269 = arith.index_cast %swap3A_266 : i32 to index
        %swap3A_270 = arith.index_cast %swap3A_267 : i32 to index
        %swap3A_271 = arith.index_cast %mul3A_264 : i32 to index
        %swap3A_272 = tpu.vector_load %arg9[%swap3A_268, %swap3A_269, %swap3A_270, %swap3A_271] {strides = array<i32>} : memref<2x4x1x2048xf32, #tpu.memory_space<vmem>>, vector<16xf32>,
        tpu.vector_store %arg9[%swap3A_268, %swap3A_269, %swap3A_270, %swap3A_271], %select_n3A_262 {strides = array<i32>} : memref<2x4x1x2048xf32, #tpu.memory_space<vmem>>, vector<16xf32>,
      }
      %dma_start3A_164 = arith.constant 1 : i32
      %dma_start3A_165 = arith.constant 0 : i32
      %dma_start3A_166 = arith.constant 0 : i32
      %dma_start3A_167 = arith.constant 0 : i32
      %dma_start3A_168 = tpu.memref_slice %arg9[%dma_start3A_164, %dma_start3A_165, %dma_start3A_166, %dma_start3A_167] : memref<2x4x1x2048xf32, #tpu.memory_space<vmem>> -> memref<1x4x1x2048xf32, #tpu.memory_space<vmem>>
      %dma_start3A_169 = tpu.memref_squeeze %dma_start3A_168 : memref<1x4x1x2048xf32, #tpu.memory_space<vmem>> -> memref<4x1x2048xf32, #tpu.memory_space<vmem>>
      %dma_start3A_170 = arith.constant 0 : i32
      %dma_start3A_171 = arith.constant 0 : i32
      %dma_start3A_172 = tpu.memref_slice %arg4[%dma_start3A_170, %add3A_120, %dma_start3A_171] : memref<4x2048x2048xf32, #tpu.memory_space<hbm>> -> memref<4x1x2048xf32, #tpu.memory_space<hbm>>
      %dma_start3A_173 = arith.constant 0 : i32
      %dma_start3A_174 = arith.constant 0 : i32
      %dma_start3A_175 = tpu.memref_slice %arg4[%dma_start3A_173, %add3A_120, %dma_start3A_174] : memref<4x2048x2048xf32, #tpu.memory_space<hbm>> -> memref<4x1x2048xf32, #tpu.memory_space<hbm>>
      %dma_start3A_176 = arith.constant 0 : i32
      %dma_start3A_177 = arith.constant 0 : i32
      %dma_start3A_178 = arith.constant 0 : i32
      %dma_start3A_179 = tpu.memref_slice %arg9[%dma_start3A_164, %dma_start3A_176, %dma_start3A_177, %dma_start3A_178] : memref<2x4x1x2048xf32, #tpu.memory_space<vmem>> -> memref<1x4x1x2048xf32, #tpu.memory_space<vmem>>
      %dma_start3A_180 = tpu.memref_squeeze %dma_start3A_179 : memref<1x4x1x2048xf32, #tpu.memory_space<vmem>> -> memref<4x1x2048xf32, #tpu.memory_space<vmem>>
      tpu.enqueue_dma source(%dma_start3A_180 : memref<4x1x2048xf32, #tpu.memory_space<vmem>>) target(%dma_start3A_175 : memref<4x1x2048xf32, #tpu.memory_space<hbm>>) target_semaphore(%arg11 : memref<!tpu.dma_semaphore, #tpu.memory_space<semaphore_mem>>)
      scf.yield %reduce_max3A_89, %reduce_max3A_153 : i32, i32
    }
    %scan3A_22 = arith.constant 32 : i32
    %dma_wait3A = arith.constant 0 : i32
    %dma_wait3A_23 = arith.constant 0 : i32
    %dma_wait3A_24 = arith.constant 0 : i32
    %dma_wait3A_25 = arith.constant 0 : i32
    %dma_wait3A_26 = tpu.memref_slice %arg9[%dma_wait3A, %dma_wait3A_23, %dma_wait3A_24, %dma_wait3A_25] : memref<2x4x1x2048xf32, #tpu.memory_space<vmem>> -> memref<1x4x1x2048xf32, #tpu.memory_space<vmem>>
    %dma_wait3A_27 = tpu.memref_squeeze %dma_wait3A_26 : memref<1x4x1x2048xf32, #tpu.memory_space<vmem>> -> memref<4x1x2048xf32, #tpu.memory_space<vmem>>
    %dma_wait3A_28 = arith.constant 0 : i32
    %dma_wait3A_29 = arith.constant 0 : i32
    %dma_wait3A_30 = tpu.memref_slice %arg4[%dma_wait3A_28, %mul3A_2, %dma_wait3A_29] : memref<4x2048x2048xf32, #tpu.memory_space<hbm>> -> memref<4x1x2048xf32, #tpu.memory_space<hbm>>
    %dma_wait3A_31 = arith.constant 0 : i32
    %dma_wait3A_32 = arith.constant 0 : i32
    %dma_wait3A_33 = arith.constant 0 : i32
    %dma_wait3A_34 = tpu.memref_slice %arg9[%dma_wait3A, %dma_wait3A_31, %dma_wait3A_32, %dma_wait3A_33] : memref<2x4x1x2048xf32, #tpu.memory_space<vmem>> -> memref<1x4x1x2048xf32, #tpu.memory_space<vmem>>
    %dma_wait3A_35 = tpu.memref_squeeze %dma_wait3A_34 : memref<1x4x1x2048xf32, #tpu.memory_space<vmem>> -> memref<4x1x2048xf32, #tpu.memory_space<vmem>>
    %dma_wait3A_36 = arith.constant 0 : i32
    %dma_wait3A_37 = arith.constant 0 : i32
    %dma_wait3A_38 = tpu.memref_slice %arg4[%dma_wait3A_36, %mul3A_2, %dma_wait3A_37] : memref<4x2048x2048xf32, #tpu.memory_space<hbm>> -> memref<4x1x2048xf32, #tpu.memory_space<hbm>>
    tpu.wait_dma2 semaphore(%arg10 : memref<!tpu.dma_semaphore, #tpu.memory_space<semaphore_mem>>) src(%dma_wait3A_38 : memref<4x1x2048xf32, #tpu.memory_space<hbm>>) dst(%dma_wait3A_35 : memref<4x1x2048xf32, #tpu.memory_space<vmem>>)
    %dma_wait3A_39 = arith.constant 1 : i32
    %dma_wait3A_40 = arith.constant 0 : i32
    %dma_wait3A_41 = arith.constant 0 : i32
    %dma_wait3A_42 = arith.constant 0 : i32
    %dma_wait3A_43 = tpu.memref_slice %arg9[%dma_wait3A_39, %dma_wait3A_40, %dma_wait3A_41, %dma_wait3A_42] : memref<2x4x1x2048xf32, #tpu.memory_space<vmem>> -> memref<1x4x1x2048xf32, #tpu.memory_space<vmem>>
    %dma_wait3A_44 = tpu.memref_squeeze %dma_wait3A_43 : memref<1x4x1x2048xf32, #tpu.memory_space<vmem>> -> memref<4x1x2048xf32, #tpu.memory_space<vmem>>
    %dma_wait3A_45 = arith.constant 0 : i32
    %dma_wait3A_46 = arith.constant 0 : i32
    %dma_wait3A_47 = tpu.memref_slice %arg4[%dma_wait3A_45, %mul3A_2, %dma_wait3A_46] : memref<4x2048x2048xf32, #tpu.memory_space<hbm>> -> memref<4x1x2048xf32, #tpu.memory_space<hbm>>
    %dma_wait3A_48 = arith.constant 0 : i32
    %dma_wait3A_49 = arith.constant 0 : i32
    %dma_wait3A_50 = arith.constant 0 : i32
    %dma_wait3A_51 = tpu.memref_slice %arg9[%dma_wait3A_39, %dma_wait3A_48, %dma_wait3A_49, %dma_wait3A_50] : memref<2x4x1x2048xf32, #tpu.memory_space<vmem>> -> memref<1x4x1x2048xf32, #tpu.memory_space<vmem>>
    %dma_wait3A_52 = tpu.memref_squeeze %dma_wait3A_51 : memref<1x4x1x2048xf32, #tpu.memory_space<vmem>> -> memref<4x1x2048xf32, #tpu.memory_space<vmem>>
    %dma_wait3A_53 = arith.constant 0 : i32
    %dma_wait3A_54 = arith.constant 0 : i32
    %dma_wait3A_55 = tpu.memref_slice %arg4[%dma_wait3A_53, %mul3A_2, %dma_wait3A_54] : memref<4x2048x2048xf32, #tpu.memory_space<hbm>> -> memref<4x1x2048xf32, #tpu.memory_space<hbm>>
    tpu.wait_dma2 semaphore(%arg11 : memref<!tpu.dma_semaphore, #tpu.memory_space<semaphore_mem>>) src(%dma_wait3A_55 : memref<4x1x2048xf32, #tpu.memory_space<hbm>>) dst(%dma_wait3A_52 : memref<4x1x2048xf32, #tpu.memory_space<vmem>>)
    return
  }
}

module attributes {stable_mosaic.version = 14 : i64} {
  func.func @_trig_kernel(%arg0: memref<16x128xf32, #tpu.memory_space<vmem>>, %arg1: memref<16x128xf32, #tpu.memory_space<vmem>>, %arg2: memref<16x128xi32, #tpu.memory_space<vmem>>) attributes {dimension_semantics = [], scalar_prefetch = 0 : i64, scratch_operands = 0 : i64, tpu.core_type = #tpu.core_type<tc>} {
    %iota3A = tpu.iota {dimensions = array<i32: 0>} : vector<16x128xi32>
    %iota3A_0 = tpu.iota {dimensions = array<i32: 1>} : vector<16x128xi32>
    %mul3A = arith.constant 128 : i32
    %mul3A_1 = vector.broadcast %mul3A : i32 to vector<16x128xi32>
    %mul3A_2 = arith.muli %iota3A, %mul3A_1 : vector<16x128xi32>
    %add3A = arith.addi %mul3A_2, %iota3A_0 : vector<16x128xi32>
    %convert_element_type3A = arith.sitofp %add3A : vector<16x128xi32> to vector<16x128xf32>
    %mul3A_3 = arith.constant 2.000000e+00 : f32
    %mul3A_4 = vector.broadcast %mul3A_3 : f32 to vector<16x128xf32>
    %mul3A_5 = arith.mulf %convert_element_type3A, %mul3A_4 : vector<16x128xf32>
    %mul3A_6 = arith.constant 3.14159274 : f32
    %mul3A_7 = vector.broadcast %mul3A_6 : f32 to vector<16x128xf32>
    %mul3A_8 = arith.mulf %mul3A_5, %mul3A_7 : vector<16x128xf32>
    %div3A = arith.constant 2.048000e+03 : f32
    %div3A_9 = vector.broadcast %div3A : f32 to vector<16x128xf32>
    %div3A_10 = arith.divf %mul3A_8, %div3A_9 : vector<16x128xf32>
    %cos3A = math.cos %div3A_10 : vector<16x128xf32>
    %sin3A = math.sin %div3A_10 : vector<16x128xf32>
    %swap3A = arith.constant 0 : index
    %swap3A_11 = arith.constant 0 : index
    %swap3A_12 = vector.load %arg0[%swap3A, %swap3A_11] : memref<16x128xf32, #tpu.memory_space<vmem>>, vector<16x128xf32>
    tpu.vector_store %arg0[%swap3A, %swap3A_11], %cos3A {strides = array<i32>} : memref<16x128xf32, #tpu.memory_space<vmem>>, vector<16x128xf32>,
    %swap3A_13 = arith.constant 0 : index
    %swap3A_14 = arith.constant 0 : index
    %swap3A_15 = vector.load %arg1[%swap3A_13, %swap3A_14] : memref<16x128xf32, #tpu.memory_space<vmem>>, vector<16x128xf32>
    tpu.vector_store %arg1[%swap3A_13, %swap3A_14], %sin3A {strides = array<i32>} : memref<16x128xf32, #tpu.memory_space<vmem>>, vector<16x128xf32>,
    %abs3A = math.absf %cos3A : vector<16x128xf32>
    %mul3A_16 = arith.constant 0.353554726 : f32
    %mul3A_17 = vector.broadcast %mul3A_16 : f32 to vector<16x128xf32>
    %mul3A_18 = arith.mulf %abs3A, %mul3A_17 : vector<16x128xf32>
    %abs3A_19 = math.absf %sin3A : vector<16x128xf32>
    %mul3A_20 = arith.constant 0.353554726 : f32
    %mul3A_21 = vector.broadcast %mul3A_20 : f32 to vector<16x128xf32>
    %mul3A_22 = arith.mulf %abs3A_19, %mul3A_21 : vector<16x128xf32>
    %gt3A = arith.constant 0.000000e+00 : f32
    %gt3A_23 = vector.broadcast %gt3A : f32 to vector<16x128xf32>
    %gt3A_24 = arith.cmpf ogt, %mul3A_18, %gt3A_23 : vector<16x128xf32>
    %max3A = arith.constant 1.000000e-30 : f32
    %max3A_25 = vector.broadcast %max3A : f32 to vector<16x128xf32>
    %max3A_26 = arith.maximumf %mul3A_18, %max3A_25 : vector<16x128xf32>
    %div3A_27 = arith.constant 5.120000e+02 : f32
    %div3A_28 = vector.broadcast %div3A_27 : f32 to vector<16x128xf32>
    %div3A_29 = arith.divf %div3A_28, %max3A_26 : vector<16x128xf32>
    %jit3A = arith.constant 3.000000e+03 : f32
    %broadcast_in_dim3A = vector.broadcast %jit3A : f32 to vector<16x128xf32>
    %select_n3A = arith.select %gt3A_24, %div3A_29, %broadcast_in_dim3A : vector<16x128xi1>, vector<16x128xf32>
    %gt3A_30 = arith.constant 0.000000e+00 : f32
    %gt3A_31 = vector.broadcast %gt3A_30 : f32 to vector<16x128xf32>
    %gt3A_32 = arith.cmpf ogt, %mul3A_22, %gt3A_31 : vector<16x128xf32>
    %max3A_33 = arith.constant 1.000000e-30 : f32
    %max3A_34 = vector.broadcast %max3A_33 : f32 to vector<16x128xf32>
    %max3A_35 = arith.maximumf %mul3A_22, %max3A_34 : vector<16x128xf32>
    %div3A_36 = arith.constant 2.000000e+00 : f32
    %div3A_37 = vector.broadcast %div3A_36 : f32 to vector<16x128xf32>
    %div3A_38 = arith.divf %div3A_37, %max3A_35 : vector<16x128xf32>
    %jit3A_39 = arith.constant 3.000000e+03 : f32
    %broadcast_in_dim3A_40 = vector.broadcast %jit3A_39 : f32 to vector<16x128xf32>
    %select_n3A_41 = arith.select %gt3A_32, %div3A_38, %broadcast_in_dim3A_40 : vector<16x128xi1>, vector<16x128xf32>
    %min3A = arith.minimumf %select_n3A, %select_n3A_41 : vector<16x128xf32>
    %min3A_42 = arith.constant 3.000000e+03 : f32
    %min3A_43 = vector.broadcast %min3A_42 : f32 to vector<16x128xf32>
    %min3A_44 = arith.minimumf %min3A, %min3A_43 : vector<16x128xf32>
    %mul3A_45 = arith.constant 6.250000e-02 : f32
    %mul3A_46 = vector.broadcast %mul3A_45 : f32 to vector<16x128xf32>
    %mul3A_47 = arith.mulf %min3A_44, %mul3A_46 : vector<16x128xf32>
    %convert_element_type3A_48 = arith.fptosi %mul3A_47 : vector<16x128xf32> to vector<16x128xi32>
    %add3A_49 = arith.constant 3 : i32
    %add3A_50 = vector.broadcast %add3A_49 : i32 to vector<16x128xi32>
    %add3A_51 = arith.addi %convert_element_type3A_48, %add3A_50 : vector<16x128xi32>
    %jit3A_52 = arith.constant 1 : i32
    %jit3A_53 = arith.constant 128 : i32
    %max3A_54 = vector.broadcast %jit3A_52 : i32 to vector<16x128xi32>
    %max3A_55 = arith.maxsi %max3A_54, %add3A_51 : vector<16x128xi32>
    %min3A_56 = vector.broadcast %jit3A_53 : i32 to vector<16x128xi32>
    %min3A_57 = arith.minsi %min3A_56, %max3A_55 : vector<16x128xi32>
    %swap3A_58 = arith.constant 0 : index
    %swap3A_59 = arith.constant 0 : index
    %swap3A_60 = vector.load %arg2[%swap3A_58, %swap3A_59] : memref<16x128xi32, #tpu.memory_space<vmem>>, vector<16x128xi32>
    tpu.vector_store %arg2[%swap3A_58, %swap3A_59], %min3A_57 {strides = array<i32>} : memref<16x128xi32, #tpu.memory_space<vmem>>, vector<16x128xi32>,
    return
  }
}

</mosaic_0001>

<sc_bundles>
// kernel: kernel.4.cloned.1.call-start
scs
__scs_entry_jumppad:
0x0: {  	(pc) =	sbr.rel $0x88, $3  }
0x1: {  	(tag) =	ssettag $0x0;
	lr =	simm.s32 $0x1  }
0x2: {  	[smem:$0x3FA0] =	sst lr;
	_ =	strace $0xD0000000  }
0x3: {  	_ = 	snop  }
0x4: {  	_ = 	snop  }
0x5: {  	_ = 	snop  }
0x6: {  	_ = 	snop  }
0x7: {  	_ = 	snop  }
__scs_overlays_trampoline_lowered:
0x8: {  	[smem:$0x3FAF] =	sst s0  }
0x9: {  	[smem:$0x3FB0] =	sst s1  }
0xa: {  	[smem:$0x3FB1] =	sst s2  }
0xb: {  	[smem:$0x3FB2] =	sst s3  }
0xc: {  	[smem:$0x3FB3] =	sst s4  }
0xd: {  	[smem:$0x3FB4] =	sst s5  }
0xe: {  	[smem:$0x3FB5] =	sst s6  }
0xf: {  	[smem:$0x3FB6] =	sst s7  }
0x10: {  	[smem:$0x3FB7] =	sst s8  }
0x11: {  	[smem:$0x3FB8] =	sst s9;
	s0 =	simm.s32 @!p0 $0x0  }
0x12: {  	s1 =	sld [smem:$0x3F9E];
	s0 =	simm.s32 @p0 $0x1  }
0x13: {  	[smem:$0x3FB9] =	sst s0;
	s0 =	simm.s32 @!p1 $0x0  }
0x14: {  	s2 =	sld [smem:$0x3F9D];
	s0 =	simm.s32 @p1 $0x1  }
0x15: {  	[smem:$0x3FBA] =	sst s0;
	s0 =	simm.s32 @!p2 $0x0  }
0x16: {  	s3 =	sld [smem:$0x3FDB];
	s0 =	simm.s32 @p2 $0x1  }
0x17: {  	s4 =	simm.s32 $0x1BF5;
	[smem:$0x3FBC] =	sst s0  }
0x18: {  	s0 =	sld [smem:$0x3F9F];
	_ =	swait.ge [sflag:s4], $0x0  }
0x19: {  	s7 =	sld [smem:$0x3FA0]  }
0x1a: {  	s8 =	sadd.s32 $0xFFFFE003, lr  }
0x1b: {  	s9 =	sadd.s32 $0xFFFFFEF7, lr;
	s5 =	simm.s32 $0xFFFFFFFF;
	p2 =	slt.u32 s8, $0xFFFFF086  }
0x1c: {  	p1 =	slt.u32 s9, $0xF7A;
	s5 =	simm.s32 @!p2 $0x0  }
0x1d: {  	s5 =	simm.s32 @p1 $0x1;
	p0 =	seq.s32 s7, s2  }
0x1e: {  	s7 =	smul.u32 @!p0 $0xF7A, s2;
	p2 =	seq.s32 @!p0 s5, $0x0  }
0x1f: {  	s9 =	smul.u32 $0xF7A, s1;
	s8 =	simm.s32 @!p0 $0x1BF5;
	p2 =	por !p2, p0  }
0x20: {  	[sflag:s8] =	ssyncset.s32 @!p0 $0xFFFFF086;
	s6 =	sadd.s32 @!p0 s3, s7;
	s7 =	simm.s32 @!p0 $0x108  }
0x21: {  	s3 =	sadd.s32 s3, s9;
	s6 =	sadd.s32 @!p0 $0x88, s6;
	s7 =	simm.s32 @p2 $0x1082  }
0x22: {  	[simem:s7], [sflag:s8] =	dma.local @!p0 [hbm:s6], $0xF7A  }
0x23: {  	s9 =	sor.u32 $0xD0000000, s2;
	s6 =	simm.s32 $0x108;
	_ =	swait.ge @!p0 [sflag:s8], $0x0  }
0x24: {  	s3 =	sadd.s32 $0x88, s3;
	s6 =	simm.s32 @!p1 $0x1082;
	[sflag:s4] =	ssyncset.s32 $0xFFFFF086  }
0x25: {  	[simem:s6], [sflag:s4] =	dma.local [hbm:s3], $0xF7A  }
0x26: {  	[smem:$0x3FA0] =	sst s1;
	(tag) =	ssettag s2;
	_ =	strace s9  }
0x27: {  	s1 =	sld [smem:$0x3FB0]  }
0x28: {  	s2 =	sld [smem:$0x3FB1]  }
0x29: {  	s4 =	sld [smem:$0x3FB3]  }
0x2a: {  	p0 =	seq.s32 s5, $0x0;
	s5 =	sld [smem:$0x3FB4]  }
0x2b: {  	s6 =	sld [smem:$0x3FB5]  }
0x2c: {  	s7 =	sld [smem:$0x3FB6]  }
0x2d: {  	s3 =	simm.s32 $0x108;
	s8 =	sld [smem:$0x3FB7]  }
0x2e: {  	s3 =	simm.s32 @!p0 $0x1082;
	s9 =	sld [smem:$0x3FB8]  }
0x2f: {  	lr =	sadd.s32 s0, s3;
	s0 =	sld [smem:$0x3FAF]  }
0x30: {  	s3 =	sld [smem:$0x3FB2]  }
0x31: {  	[smem:$0x3FBB] =	sst s10  }
0x32: {  	s10 =	sld [smem:$0x3FB9];
	_ =	sdelay $0x3  }
0x33: {  	p0 =	seq.s32 s10, $0x1;
	s10 =	sld [smem:$0x3FBB];
	_ =	sdelay $0x3  }
0x34: {  	[smem:$0x3FBB] =	sst s10  }
0x35: {  	s10 =	sld [smem:$0x3FBA];
	_ =	sdelay $0x3  }
0x36: {  	p1 =	seq.s32 s10, $0x1;
	s10 =	sld [smem:$0x3FBB];
	_ =	sdelay $0x3  }
0x37: {  	[smem:$0x3FBB] =	sst s10  }
0x38: {  	s10 =	sld [smem:$0x3FBC]  }
0x39: {  	_ = 	snop;
	(pc) =	sbr.ind lr, $3  }
0x3a: {  	_ = 	snop  }
0x3b: {  	_ = 	snop  }
0x3c: {  	p2 =	seq.s32 s10, $0x1;
	s10 =	sld [smem:$0x3FBB]  }
0x3d: {  	_ =	shalt  }
0x3e: {  	_ =	shalt  }
0x3f: {  	_ =	shalt  }
0x40: {  	_ =	shalt  }
0x41: {  	_ =	shalt  }
0x42: {  	_ =	shalt  }
0x43: {  	_ =	shalt  }
0x44: {  	_ =	shalt  }
0x45: {  	_ =	shalt  }
0x46: {  	_ =	shalt  }
0x47: {  	_ =	shalt  }
0x48: {  	_ =	shalt  }
0x49: {  	_ =	shalt  }
0x4a: {  	_ =	shalt  }
0x4b: {  	_ =	shalt  }
0x4c: {  	_ =	shalt  }
0x4d: {  	_ =	shalt  }
0x4e: {  	_ =	shalt  }
0x4f: {  	_ =	shalt  }
0x50: {  	_ =	shalt  }
0x51: {  	_ =	shalt  }
0x52: {  	_ =	shalt  }
0x53: {  	_ =	shalt  }
0x54: {  	_ =	shalt  }
0x55: {  	_ =	shalt  }
0x56: {  	_ =	shalt  }
0x57: {  	_ =	shalt  }
0x58: {  	_ =	shalt  }
0x59: {  	_ =	shalt  }
0x5a: {  	_ =	shalt  }
0x5b: {  	_ =	shalt  }
0x5c: {  	_ =	shalt  }
0x5d: {  	_ =	shalt  }
0x5e: {  	_ =	shalt  }
0x5f: {  	_ =	shalt  }
0x60: {  	_ =	shalt  }
0x61: {  	_ =	shalt  }
0x62: {  	_ =	shalt  }
0x63: {  	_ =	shalt  }
0x64: {  	_ =	shalt  }
0x65: {  	_ =	shalt  }
0x66: {  	_ =	shalt  }
0x67: {  	_ =	shalt  }
0x68: {  	_ =	shalt  }
0x69: {  	_ =	shalt  }
0x6a: {  	_ =	shalt  }
0x6b: {  	_ =	shalt  }
0x6c: {  	_ =	shalt  }
0x6d: {  	_ =	shalt  }
0x6e: {  	_ =	shalt  }
0x6f: {  	_ =	shalt  }
0x70: {  	_ =	shalt  }
0x71: {  	_ =	shalt  }
0x72: {  	_ =	shalt  }
0x73: {  	_ =	shalt  }
0x74: {  	_ =	shalt  }
0x75: {  	_ =	shalt  }
0x76: {  	_ =	shalt  }
0x77: {  	_ =	shalt  }
0x78: {  	_ =	shalt  }
0x79: {  	_ =	shalt  }
0x7a: {  	_ =	shalt  }
0x7b: {  	_ =	shalt  }
0x7c: {  	_ =	shalt  }
0x7d: {  	_ =	shalt  }
0x7e: {  	_ =	shalt  }
0x7f: {  	_ =	shalt  }
0x80: {  	_ =	shalt  }
0x81: {  	_ =	shalt  }
0x82: {  	_ =	shalt  }
0x83: {  	_ =	shalt  }
0x84: {  	_ =	shalt  }
0x85: {  	_ =	shalt  }
0x86: {  	_ =	shalt  }
0x87: {  	_ =	shalt  }
.Lfunc_end0:
.L_simem_size_0:
called_computation_lowered:
.L_overlay_start_0:
0x88: {  	s2 =	sld [smem:$0x3FD9]  }
0x89: {  	s3 =	sld [smem:$0x3FFE];
	_ =	sdelay $0x1  }
0x8a: {  	s1 =	srdreg.scid  }
0x8b: {  	s0 =	sand.u32 $0x1, s1  }
0x8c: {  	s17 =	sshll.u32 s0, $0xA;
	s2 =	sadd.s32 s3, s2  }
0x8d: {  	s2 =	sadd.s32 s2, s17  }
0x8e: {  	[smem:$0x3FC7] =	sst s2  }
0x8f: {  	_ = 	snop  }
0x90: {  	s2 =	sld [smem:$0x3FC9]  }
0x91: {  	s18 =	sld [smem:$0x3FD0];
	(tm) =	ssettm $0x1  }
0x92: {  	s4 =	sld [smem:$0x3FFB];
	_ =	sdelay $0x3  }
0x93: {  	_ =	strace s4  }
0x94: {  	s4 =	sld [smem:$0x3FFC];
	_ =	sdelay $0x3  }
0x95: {  	_ =	strace s4  }
0x96: {  	s4 =	sld [smem:$0x3FFD];
	_ =	sdelay $0x3  }
0x97: {  	_ =	strace s4  }
0x98: {  	_ =	strace $0x8FFFFFFF  }
0x99: {  	s19 =	sld [smem:$0x3FDB];
	_ =	sdelay $0x1  }
0x9a: {  	s5 =	simm.s32 $_scs_section_size  }
0x9b: {  	s6 =	simm.s32 $_size__tile_overlayer_lowered;
	s7 =	simm.s32 $_tile_overlayer_lowered  }
0x9c: {  	s22 =	simm.s32 $0x1BFF;
	s21 =	sshll.u32 s7, $0x1;
	s4 =	sadd.s32 s5, s19  }
0x9d: {  	s8 =	simm.s32 $0x0;
	s20 =	sshll.u32 s6, $0x1;
	s6 =	sadd.s32 s21, s4  }
0x9e: {  	[timem:s8], [sflag:s22] =	dma.local [hbm:s6], s20  }
0x9f: {  	_ =	swait.ge [sflag:s22], s20  }
0xa0: {  	s5 =	ssub.s32 $0x0, s20;
	[sflag:s22] =	ssyncset.done $0x0  }
0xa1: {  	[sflag:s22] =	ssyncadd.s32 s5;
	_ =	sdelay $0x1  }
0xa2: {  	s23 =	simm.s32 $0x1B8B  }
0xa3: {  	_ =	swait.ge [sflag:s23], $0x1  }
0xa4: {  	[sflag:s23] =	ssyncset.done $0x0  }
0xa5: {  	s25 =	simm.s32 $0x1B8E;
	s24 =	sld [smem:$0x3FFE];
	[sflag:s23] =	ssyncadd.s32 $0xFFFFFFFF  }
0xa6: {  	s26 =	simm.s32 $execute0_lowered;
	[smem:$0x3FD2] =	sst s25  }
0xa7: {  	s6 =	sshll.u32 s26, $0x1;
	_ =	strace $0x80000046;
	[dreg:$0x1] =	wrdreg $0xFFFFFFFF  }
0xa8: {  	s28 =	simm.s32 $_size_execute0_lowered;
	s4 =	sadd.s32 s4, s6;
	[dreg:$0x0] =	wrdreg $0x0  }
0xa9: {  	s6 =	sshll.u32 s28, $0x1;
	[dreg:$0x2] =	wrdreg s4  }
0xaa: {  	[dreg:$0x3] =	wrdreg s6  }
0xab: {  	[dreg:$0x4] =	wrdreg $0xC0  }
0xac: {  	_ =	task [dreg:s8], $0x5FFFF  }
0xad: {  	[dreg:$0x1] =	wrdreg $0xFFFFFFFF  }
0xae: {  	[dreg:$0x0] =	wrdreg $0x60  }
0xaf: {  	[dreg:$0x2] =	wrdreg s2  }
0xb0: {  	[dreg:$0x3] =	wrdreg s24  }
0xb1: {  	[dreg:$0x4] =	wrdreg s18  }
0xb2: {  	[dreg:$0x5] =	wrdreg $0x9  }
0xb3: {  	_ =	task.clear_ibuf [dreg:s8], $0x6FFFF;
	_ =	strace $0x90000046  }
0xb4: {  	s29 =	simm.s32 $0x9;
	_ =	strace $0x80000048  }
0xb5: {  	_ =	swait.ge [sflag:s29], $0x1  }
0xb6: {  	[sflag:s29] =	ssyncadd.s32 $0xFFFFFFFF  }
0xb7: {  	_ =	strace $0x90000048  }
0xb8: {  	_ =	sfence  }
0xb9: {  	s30 =	sld [smem:$0x0];
	_ =	sdelay $0x2  }
0xba: {  	s31 =	sshll.u32 s1, $0xD;
	s1 =	sshrl.u32 s1, $0x2  }
0xbb: {  	s3 =	sand.u32 $0x4000, s31;
	s1 =	sadd.s32 s1, s30  }
0xbc: {  	s0 =	sor.u32 s3, s0;
	s1 =	sshll.u32 s1, $0x11  }
0xbd: {  	s0 =	sor.u32 s1, s0  }
0xbe: {  	s0 =	sadd.s32 $0x8F2B, s0  }
0xbf: {  	[sflag:s0] =	ssyncadd.remote.s32 $0x1  }
0xc0: {  	_ =	sfence.sel $0xFFFF  }
0xc1: {  	[dreg:$0x0] =	wrdreg $0xFFFFFFFF;
	(pc) =	sbr.abs _section_cstart, $3  }
0xc2: {  	[dreg:$0x1] =	wrdreg $0xFFFFFFFF  }
0xc3: {  	_ =	task.clear_ibuf [dreg:s8], $0x2FFFF;
	_ =	strace $0x9FFFFFFF  }
0xc4: {  	(tm) =	ssettm $0x7FFFFFFF  }
0xc5: {  	_ =	shalt  }
tec
execute0_lowered:
.L_overlay_start_1:
0x0: {  	(tag) =	ssettag $0x1  }
0x1: {  	s6 =	rddreg [dreg:$0x0];
	s0 =	srdreg.scid  }
0x2: {  	s1 =	rddreg [dreg:$0x1];
	s2 =	stileid.u32  }
0x3: {  	s3 =	rddreg [dreg:$0x2];
	s5 =	simm.s32 $0x0;
	s13 =	simm.s32 $0x200  }
0x4: {  	s14 =	simm.s32 $0x400;
	s18 =	simm.s32 $0x3;
	s22 =	simm.s32 $0x80  }
0x5: {  	s23 =	simm.s32 $0xA000;
	s28 =	simm.s32 $0xC000;
	s29 =	simm.s32 $0xC800  }
0x6: {  	s30 =	simm.s32 $0xD000;
	s31 =	simm.s32 $0xD800;
	s15 =	simm.s32 $0x0  }
0x7: {  	s0 =	sand.u32 $0x1, s0;
	s2 =	sshll.u32 s2, $0x7;
	[smem:$0x7FF] =	sst s5  }
0x8: {  	s10 =	sadd.s32 $0x20000, s6;
	s11 =	sadd.s32 $0x40000, s6;
	s4 =	sshll.u32 s0, $0x6  }
0x9: {  	s12 =	sadd.s32 $0x60000, s6;
	s0 =	ssub.s32 $0x2, s0;
	s4 =	sor.u32 s4, s2  }
0xa: {  	_ =	strace $0x80000047;
	s24 =	sshrl.u32 s0, $0x1;
	s2 =	sshll.u32 s4, $0x4  }
.Ltmp0:
0xb: {  	s0 =	ssub.s32 s0, s24;
	s1 =	sadd.s32 s2, s1;
	(pc) =	sbr.rel .LBB2_1-.Ltmp0, $4  }
0xc: {  	s24 =	simm.s32 $0xA800;
	s9 =	smax.u32 s0, $0x1;
	s25 =	sadd.s32 $0x600, s1  }
0xd: {  	s2 =	simm.s32 $0x1;
	s26 =	sadd.s32 $0x8600, s1;
	[dreg:$0x4] =	wrdreg s25  }
0xe: {  	s0 =	simm.s32 $0x2;
	s1 =	sadd.s32 $0x10600, s1;
	[dreg:$0x5] =	wrdreg s26  }
0xf: {  	v0 =	vimm.f32 $0.0e+00;
	v1 =	vlaneseq.u32;
	[dreg:$0x6] =	wrdreg s1;
	s25 =	simm.s32 $0xB000;
	s26 =	simm.s32 $0xB800  }
.LBB2_25:
0x10: {  	s15 =	sadd.s32 $0x1, s15  }
0x11: {  	_ =	swait.ge [sflag:s2], $0x2000;
	p0 =	sne.s32 s15, s9  }
.Ltmp1:
0x12: {  	[sflag:s2] =	ssyncset.done $0x0;
	(pc) =	sbr.rel @!p0 .LBB2_26-.Ltmp1, $4  }
0x13: {  	[sflag:s2] =	ssyncadd.s32 $0xFFFFE000  }
0x14: {  	_ =	swait.ge [sflag:s0], $0x2000  }
0x15: {  	[sflag:s0] =	ssyncset.done $0x0  }
0x16: {  	[sflag:s0] =	ssyncadd.s32 $0xFFFFE000  }
.LBB2_1:
0x17: {  	s1 =	rddreg [dreg:$0x0]  }
0x18: {  	[tilespmem:s5], [sflag:$0x3] =	stream.strided.gather [hbm4b:s1+s13], $0x1000, s14, s13, $0x38;
	[tilespmem:$0xE000] =	vst v63  }
0x19: {  	s6 =	simm.s32 $0x1000  }
0x1a: {  	[tilespmem:s6], [sflag:$0x3] =	stream.strided.gather [hbm4b:s10+s13], $0x1000, s14, s13, $0x38;
	[tilespmem:$0xE000] =	vst v63  }
0x1b: {  	s7 =	simm.s32 $0x2000  }
0x1c: {  	[tilespmem:s7], [sflag:$0x3] =	stream.strided.gather [hbm4b:s11+s13], $0x1000, s14, s13, $0x38;
	[tilespmem:$0xE000] =	vst v63  }
0x1d: {  	s8 =	simm.s32 $0x3000  }
0x1e: {  	[tilespmem:s8], [sflag:$0x3] =	stream.strided.gather [hbm4b:s12+s13], $0x1000, s14, s13, $0x38;
	[tilespmem:$0xE000] =	vst v63  }
0x1f: {  	_ =	swait.ge [sflag:s18], $0x4000  }
0x20: {  	[sflag:s18] =	ssyncset.done $0x0  }
0x21: {  	s6 =	simm.s32 $0x4000;
	s16 =	rddreg [dreg:$0x4];
	[sflag:s18] =	ssyncadd.s32 $0xFFFFC000  }
0x22: {  	[tilespmem:s6], [sflag:$0x3] =	stream.linear.gather [hbm4b:s16+s5], $0x2000, $0x38;
	[tilespmem:$0xE000] =	vst v63  }
0x23: {  	_ =	swait.ge [sflag:s18], $0x2000  }
0x24: {  	[sflag:s18] =	ssyncset.done $0x0  }
0x25: {  	s19 =	simm.s32 $0x6000;
	s17 =	rddreg [dreg:$0x5];
	[sflag:s18] =	ssyncadd.s32 $0xFFFFE000  }
0x26: {  	[tilespmem:s19], [sflag:$0x3] =	stream.linear.gather [hbm4b:s17+s5], $0x2000, $0x38;
	[tilespmem:$0xE000] =	vst v63  }
0x27: {  	_ =	swait.ge [sflag:s18], $0x2000  }
0x28: {  	s21 =	simm.s32 $0x8000;
	[sflag:s18] =	ssyncset.done $0x0  }
.Ltmp2:
0x29: {  	s20 =	rddreg [dreg:$0x6];
	[sflag:s18] =	ssyncadd.s32 $0xFFFFE000;
	(pc) =	sbr.rel .LBB2_2-.Ltmp2, $4  }
0x2a: {  	[tilespmem:s21], [sflag:$0x3] =	stream.linear.gather [hbm4b:s20+s5], $0x2000, $0x38;
	[tilespmem:$0xE000] =	vst v63  }
0x2b: {  	_ =	swait.ge [sflag:s18], $0x2000  }
0x2c: {  	s16 =	simm.s32 $0x0;
	[sflag:s18] =	ssyncset.done $0x0  }
0x2d: {  	s17 =	simm.s32 $0x80;
	s19 =	simm.s32 $0x80;
	[sflag:s18] =	ssyncadd.s32 $0xFFFFE000  }
.LBB2_20:
0x2e: {  	_ = 	snop  }
.LBB2_23:
0x2f: {  	v6 =	vcvt.s32.f32 v6;
	_ =	sdelay $0x1  }
0x30: {  	v7 =	vor.u32 @p0 $0x2000, v4;
	v6 =	vmul.f32 $3.535547260e-01, v6;
	_ =	sdelay $0x1  }
0x31: {  	v2 =	vmul.f32 v6, v2;
	v3 =	vmul.f32 v6, v3  }
0x32: {  	v5 =	vnsel @p0 vm0, $0x0, v5  }
0x33: {  	[tilespmem:s6+$0xC800] =	vst @p0 v5;
	v2 =	vadd.f32 $5.120000000e+02, v2;
	v3 =	vsub.f32 $2.000000000e+00, v3  }
0x34: {  	v5 =	vld.idx.msk @p0 [tilespmem:v7+s5+$0x0], $0xffff  }
0x35: {  	v59 =	vtrunc.f32 v2;
	v60 =	vtrunc.f32 v3  }
0x36: {  	v4 =	vor.u32 @p0 $0x3000, v4;
	v6 =	vcvt.f32.s32 v59;
	v7 =	vcvt.f32.s32 v60;
	_ =	sdelay $0x1  }
0x37: {  	vm1 =	vgt.s32 v6, $0x0;
	vm2 =	vgt.s32 v7, $0x0  }
0x38: {  	v5 =	vnsel @p0 vm0, $0x0, v5;
	v6 =	vnsel vm1, $0x0, v6;
	v7 =	vnsel vm2, $0x0, v7  }
0x39: {  	[tilespmem:s6+$0xD000] =	vst @p0 v5;
	v61 =	vmin.u32 v6, $0x3FF;
	v62 =	vmin.u32 v7, $0x3  }
0x3a: {  	v4 =	vld.idx.msk @p0 [tilespmem:v4+s5+$0x0], $0xffff;
	v63 =	vand.u32 $0x7F, v61;
	v5 =	vshll.u32 v61, $0x2;
	v6 =	vshll.u32 v62, $0x7  }
0x3b: {  	v5 =	vand.u32 $0xE00, v5;
	v6 =	vor.u32 v6, v63  }
0x3c: {  	v5 =	vor.u32 v5, v6;
	_ =	sdelay $0x2  }
0x3d: {  	v4 =	vnsel @p0 vm0, $0x0, v4  }
0x3e: {  	[tilespmem:s6+$0xD800] =	vst @p0 v4  }
0x3f: {  	v4 =	vld.idx.msk [tilespmem:v5+s5+$0x0], $0xffff  }
0x40: {  	vm12 =	vge.f32 v2, $0.0e+00;
	vm13 =	vge.f32 v3, $0.0e+00  }
0x41: {  	vm14 =	vlt.f32 v2, $1.024000000e+03;
	vm0 =	vmand vm12, vm13;
	v2 =	vor.u32 $0x1000, v5  }
0x42: {  	vm15 =	vlt.f32 v3, $4.000000000e+00;
	vm0 =	vmand vm0, vm14  }
0x43: {  	vm0 =	vmand vm15, vm0  }
0x44: {  	s1 =	sand.u32 $0xFFFFFFF0, s1;
	v3 =	vnsel vm0, $0x0, v4  }
0x45: {  	[tilespmem:s1+$0xC000] =	vst v3  }
0x46: {  	v2 =	vld.idx.msk [tilespmem:v2+s5+$0x0], $0xffff;
	_ =	sdelay $0x1  }
0x47: {  	v3 =	vor.u32 $0x2000, v5;
	_ =	sdelay $0x2  }
0x48: {  	v2 =	vnsel vm0, $0x0, v2  }
0x49: {  	[tilespmem:s1+$0xC800] =	vst v2  }
0x4a: {  	v2 =	vld.idx.msk [tilespmem:v3+s5+$0x0], $0xffff;
	_ =	sdelay $0x1  }
0x4b: {  	v3 =	vor.u32 $0x3000, v5;
	_ =	sdelay $0x2  }
0x4c: {  	v2 =	vnsel vm0, $0x0, v2  }
0x4d: {  	[tilespmem:s1+$0xD000] =	vst v2  }
0x4e: {  	v2 =	vld.idx.msk [tilespmem:v3+s5+$0x0], $0xffff;
	_ =	sdelay $0x4  }
0x4f: {  	v2 =	vnsel vm0, $0x0, v2  }
0x50: {  	[tilespmem:s1+$0xD800] =	vst v2  }
.LBB2_24:
0x51: {  	s1 =	sshll.u32 s21, $0x4  }
0x52: {  	s1 =	sand.u32 $0x70, s1  }
0x53: {  	s1 =	sadd.s32 s3, s1  }
0x54: {  	s16 =	sadd.s32 $0x1, s16;
	s1 =	sadd.s32 s20, s1  }
0x55: {  	[hbm4b:s1+s22] =	stream.strided.scatter [tilespmem:s28], [sflag:$0x2], $0x800, s14, s22, $0x38;
	[tilespmem:$0xE000] =	vst v63  }
0x56: {  	p0 =	sne.s32 s16, $0x20;
	s6 =	sadd.s32 $0x80000, s1  }
0x57: {  	[hbm4b:s6+s22] =	stream.strided.scatter [tilespmem:s29], [sflag:$0x2], $0x800, s14, s22, $0x38;
	[tilespmem:$0xE000] =	vst v63  }
.Ltmp3:
0x58: {  	_ = 	snop;
	(pc) =	sbr.rel @!p0 .LBB2_25-.Ltmp3, $4  }
0x59: {  	s21 =	sadd.s32 $0x100000, s1  }
0x5a: {  	[hbm4b:s21+s22] =	stream.strided.scatter [tilespmem:s30], [sflag:$0x2], $0x800, s14, s22, $0x38;
	[tilespmem:$0xE000] =	vst v63  }
0x5b: {  	s1 =	sadd.s32 $0x180000, s1  }
0x5c: {  	[hbm4b:s1+s22] =	stream.strided.scatter [tilespmem:s31], [sflag:$0x2], $0x800, s14, s22, $0x38;
	[tilespmem:$0xE000] =	vst v63  }
.LBB2_2:
0x5d: {  	p1 =	slt.s32 s19, $0x1  }
.Ltmp4:
0x5e: {  	p0 =	seq.s32 s16, $0x0;
	(pc) =	sbr.rel @p1 .LBB2_6-.Ltmp4, $4  }
0x5f: {  	s1 =	simm.s32 @!p0 $0x1  }
0x60: {  	_ =	swait.ge @!p0 [sflag:s1], $0x2000  }
0x61: {  	[sflag:s1] =	ssyncset.done @!p0 $0x0  }
0x62: {  	[sflag:s1] =	ssyncadd.s32 @!p0 $0xFFFFE000  }
0x63: {  	p1 =	sne.s32 s19, $0x1  }
.Ltmp5:
0x64: {  	_ = 	snop;
	(pc) =	sbr.rel @!p1 .LBB2_5-.Ltmp5, $3  }
0x65: {  	_ =	sdelay $0x1  }
0x66: {  	s1 =	simm.s32 $0xA000;
	s6 =	simm.s32 $0x0  }
0x67: {  	s7 =	sadd.s32 $0xFFFFFFFF, s19;
	[tilespmem:s1+$0x0] =	vst v0;
	s8 =	sand.u32 $0xFFFFFFF0, s6  }
.LBB2_4:
0x68: {  	p1 =	sne.s32 s7, $0x1;
	[tilespmem:s8+$0xB800] =	vst v0;
	s1 =	sadd.s32 $0x10, s1;
	s6 =	sadd.s32 $0x10, s6  }
.Ltmp6:
0x69: {  	s7 =	sadd.s32 $0xFFFFFFFF, s7;
	[tilespmem:s8+$0xA800] =	vst v0;
	(pc) =	sbr.rel @p1 .LBB2_4-.Ltmp6, $2  }
0x6a: {  	[tilespmem:s8+$0xB000] =	vst v0;
	_ =	sdelay $0x2  }
0x6b: {  	s8 =	sand.u32 $0xFFFFFFF0, s6;
	[tilespmem:s1+$0x0] =	vst v0  }
.LBB2_5:
0x6c: {  	[tilespmem:s8+$0xB800] =	vst v0  }
0x6d: {  	[tilespmem:s8+$0xA800] =	vst v0  }
0x6e: {  	[tilespmem:s8+$0xB000] =	vst v0  }
.LBB2_6:
0x6f: {  	s1 =	sshll.u32 s16, $0x8  }
0x70: {  	v2 =	vld [tilespmem:s1+$0x8000];
	_ =	sdelay $0x4  }
0x71: {  	v2 =	vxor.u32 $0x80000000, v2  }
0x72: {  	(xrf0) =	vmax.scan.msk.u32 $0xffff, v2;
	_ =	sdelay $0x5  }
0x73: {  	v2, _, _ =	vpop (xrf0)  }
0x74: {  	(v2sf) =	vpush v2, $0xF;
	_ =	sdelay $0xe  }
0x75: {  	s6 =	spop (v2sf)  }
0x76: {  	s19 =	sxor.u32 $0x80000000, s6  }
0x77: {  	p1 =	slt.s32 s19, $0x1  }
.Ltmp7:
0x78: {  	_ = 	snop;
	(pc) =	sbr.rel @p1 .LBB2_14-.Ltmp7, $3  }
0x79: {  	_ =	sdelay $0x1  }
0x7a: {  	v3 =	vld [tilespmem:s1+$0x6000]  }
0x7b: {  	v2 =	vld [tilespmem:s1+$0x4000]  }
0x7c: {  	s7 =	simm.s32 $0x0  }
0x7d: {  	v4 =	vor.u32 s7, v1  }
0x7e: {  	v4 =	vcvt.s32.f32 v4;
	_ =	sdelay $0x1  }
0x7f: {  	v4 =	vmul.f32 $3.535547260e-01, v4;
	_ =	sdelay $0x1  }
0x80: {  	v5 =	vmul.f32 v4, v2;
	v4 =	vmul.f32 v4, v3;
	_ =	sdelay $0x1  }
0x81: {  	v5 =	vadd.f32 $5.120000000e+02, v5;
	v4 =	vsub.f32 $2.000000000e+00, v4;
	_ =	sdelay $0x1  }
0x82: {  	v6 =	vtrunc.f32 v5;
	v7 =	vtrunc.f32 v4  }
0x83: {  	v6 =	vcvt.f32.s32 v6;
	v7 =	vcvt.f32.s32 v7;
	_ =	sdelay $0x1  }
0x84: {  	p2 =	sne.s32 s19, $0x1;
	vm0 =	vge.f32 v5, $0.0e+00;
	vm1 =	vgt.s32 v6, $0x0;
	vm2 =	vgt.s32 v7, $0x0  }
.Ltmp8:
0x85: {  	v6 =	vnsel vm1, $0x0, v6;
	vm1 =	vge.f32 v4, $0.0e+00;
	v7 =	vnsel vm2, $0x0, v7;
	(pc) =	sbr.rel @!p2 .LBB2_8-.Ltmp8, $4  }
0x86: {  	vm2 =	vlt.f32 v5, $1.024000000e+03;
	v5 =	vmin.u32 v6, $0x3FF;
	v6 =	vmin.u32 v7, $0x3  }
0x87: {  	v7 =	vand.u32 $0x7F, v5;
	v5 =	vshll.u32 v5, $0x2;
	v6 =	vshll.u32 v6, $0x7  }
0x88: {  	vm0 =	vmand vm0, vm1;
	v5 =	vand.u32 $0xE00, v5;
	v6 =	vor.u32 v6, v7  }
0x89: {  	s1 =	simm.s32 $0xA000;
	s8 =	sadd.s32 $0xFFFFFFFF, s19;
	p1 =	por $0x0, $0x0;
	vm0 =	vmand vm0, vm2;
	v5 =	vor.u32 v5, v6  }
0x8a: {  	_ =	sdelay $0x3  }
0x8b: {  	v6 =	vld.idx.msk [tilespmem:v5+s5+$0x0], $0xffff;
	_ =	sdelay $0x1  }
0x8c: {  	v7 =	vor.u32 $0x1000, v5  }
0x8d: {  	vm1 =	vlt.f32 v4, $4.000000000e+00  }
0x8e: {  	vm1 =	vmand vm1, vm0  }
0x8f: {  	v4 =	vnsel vm1, $0x0, v6  }
0x90: {  	[tilespmem:s1+$0x0] =	vst v4  }
0x91: {  	s20 =	simm.s32 $0x10;
	v4 =	vld.idx.msk [tilespmem:v7+s5+$0x0], $0xffff  }
0x92: {  	v6 =	vor.u32 s20, v1  }
0x93: {  	v6 =	vcvt.s32.f32 v6;
	v7 =	vor.u32 $0x2000, v5;
	_ =	sdelay $0x1  }
0x94: {  	v6 =	vmul.f32 $3.535547260e-01, v6  }
0x95: {  	s6 =	sand.u32 $0xFFFFFFF0, s7;
	v4 =	vnsel vm1, $0x0, v4  }
0x96: {  	[tilespmem:s6+$0xA800] =	vst v4;
	v4 =	vmul.f32 v6, v2;
	v6 =	vmul.f32 v6, v3  }
0x97: {  	v7 =	vld.idx.msk [tilespmem:v7+s5+$0x0], $0xffff  }
0x98: {  	v8 =	vadd.f32 $5.120000000e+02, v4;
	v4 =	vsub.f32 $2.000000000e+00, v6  }
0x99: {  	v5 =	vor.u32 $0x3000, v5  }
0x9a: {  	v6 =	vtrunc.f32 v8;
	v9 =	vtrunc.f32 v4  }
0x9b: {  	v6 =	vcvt.f32.s32 v6;
	v9 =	vcvt.f32.s32 v9  }
0x9c: {  	v7 =	vnsel vm1, $0x0, v7  }
0x9d: {  	[tilespmem:s6+$0xB000] =	vst v7;
	vm2 =	vgt.s32 v6, $0x0;
	vm3 =	vgt.s32 v9, $0x0  }
0x9e: {  	vm0 =	vge.f32 v8, $0.0e+00;
	v7 =	vld.idx.msk [tilespmem:v5+s5+$0x0], $0xffff;
	v5 =	vnsel vm2, $0x0, v6;
	v6 =	vnsel vm3, $0x0, v9  }
0x9f: {  	vm2 =	vlt.f32 v8, $1.024000000e+03;
	v5 =	vmin.u32 v5, $0x3FF;
	v6 =	vmin.u32 v6, $0x3  }
0xa0: {  	p2 =	sne.s32 s8, $0x1;
	v8 =	vand.u32 $0x7F, v5;
	v5 =	vshll.u32 v5, $0x2;
	v6 =	vshll.u32 v6, $0x7  }
.Ltmp9:
0xa1: {  	v5 =	vand.u32 $0xE00, v5;
	v6 =	vor.u32 v6, v8;
	(pc) =	sbr.rel @!p2 .LBB2_10-.Ltmp9, $4  }
0xa2: {  	v5 =	vor.u32 v5, v6  }
0xa3: {  	vm4 =	vge.f32 v4, $0.0e+00  }
0xa4: {  	s7 =	sadd.s32 $0xFFFFFFFF, s8;
	vm0 =	vmand vm0, vm4  }
0xa5: {  	p1 =	por $0x1, $0x1;
	s21 =	simm.s32 $0xA000;
	s8 =	simm.s32 $0x10;
	vm0 =	vmand vm0, vm2;
	v6 =	vnsel vm1, $0x0, v7  }
.LBB2_11:
0xa6: {  	p2 =	sne.s32 s7, $0x1;
	s7 =	sadd.s32 $0xFFFFFFFF, s7;
	[tilespmem:s6+$0xB800] =	vst v6;
	s21 =	sadd.s32 $0x10, s21  }
0xa7: {  	v6 =	vld.idx.msk [tilespmem:v5+s5+$0x0], $0xffff;
	_ =	sdelay $0x2  }
0xa8: {  	v7 =	vor.u32 $0x1000, v5  }
0xa9: {  	vm1 =	vlt.f32 v4, $4.000000000e+00  }
0xaa: {  	vm1 =	vmand vm1, vm0  }
0xab: {  	v4 =	vnsel vm1, $0x0, v6  }
0xac: {  	[tilespmem:s21+$0x0] =	vst v4  }
0xad: {  	v4 =	vld.idx.msk [tilespmem:v7+s5+$0x0], $0xffff  }
0xae: {  	s8 =	sadd.s32 $0x10, s8  }
0xaf: {  	v6 =	vor.u32 s8, v1  }
0xb0: {  	v6 =	vcvt.s32.f32 v6;
	v7 =	vor.u32 $0x2000, v5;
	_ =	sdelay $0x1  }
0xb1: {  	v6 =	vmul.f32 $3.535547260e-01, v6  }
0xb2: {  	s6 =	sand.u32 $0xFFFFFFF0, s20;
	s20 =	smov.u32 s8;
	v4 =	vnsel vm1, $0x0, v4  }
0xb3: {  	v8 =	vmul.f32 v6, v2;
	v6 =	vmul.f32 v6, v3;
	[tilespmem:s6+$0xA800] =	vst v4  }
0xb4: {  	v7 =	vld.idx.msk [tilespmem:v7+s5+$0x0], $0xffff  }
0xb5: {  	v8 =	vadd.f32 $5.120000000e+02, v8;
	v4 =	vsub.f32 $2.000000000e+00, v6  }
0xb6: {  	v5 =	vor.u32 $0x3000, v5  }
0xb7: {  	vm0 =	vge.f32 v8, $0.0e+00;
	v6 =	vtrunc.f32 v8;
	v9 =	vtrunc.f32 v4  }
0xb8: {  	v6 =	vcvt.f32.s32 v6;
	vm2 =	vge.f32 v4, $0.0e+00;
	v9 =	vcvt.f32.s32 v9  }
0xb9: {  	vm3 =	vlt.f32 v8, $1.024000000e+03;
	vm0 =	vmand vm0, vm2  }
0xba: {  	vm2 =	vgt.s32 v6, $0x0;
	vm4 =	vgt.s32 v9, $0x0;
	v7 =	vnsel vm1, $0x0, v7  }
0xbb: {  	vm0 =	vmand vm0, vm3;
	v6 =	vnsel vm2, $0x0, v6;
	v8 =	vnsel vm4, $0x0, v9;
	[tilespmem:s6+$0xB000] =	vst v7  }
0xbc: {  	v6 =	vmin.u32 v6, $0x3FF;
	v7 =	vmin.u32 v8, $0x3;
	v8 =	vld.idx.msk [tilespmem:v5+s5+$0x0], $0xffff  }
0xbd: {  	v5 =	vand.u32 $0x7F, v6;
	v6 =	vshll.u32 v6, $0x2;
	v7 =	vshll.u32 v7, $0x7  }
.Ltmp10:
0xbe: {  	v6 =	vand.u32 $0xE00, v6;
	v5 =	vor.u32 v7, v5;
	(pc) =	sbr.rel @p2 .LBB2_11-.Ltmp10, $2  }
0xbf: {  	v5 =	vor.u32 v6, v5;
	_ =	sdelay $0x2  }
0xc0: {  	v6 =	vnsel vm1, $0x0, v8  }
0xc1: {  	s7 =	smov.u32 s20  }
.LBB2_13:
0xc2: {  	_ =	sdelay $0x2  }
0xc3: {  	[tilespmem:s6+$0xB800] =	vst @p1 v6  }
0xc4: {  	v2 =	vld.idx.msk [tilespmem:v5+s5+$0x0], $0xffff;
	_ =	sdelay $0x1  }
0xc5: {  	v3 =	vor.u32 $0x1000, v5  }
0xc6: {  	vm1 =	vlt.f32 v4, $4.000000000e+00  }
0xc7: {  	s6 =	sadd.s32 @p1 $0x10, s21;
	vm0 =	vmand vm1, vm0  }
0xc8: {  	s1 =	smov.u32 @p1 s6;
	v2 =	vnsel vm0, $0x0, v2  }
0xc9: {  	[tilespmem:s1+$0x0] =	vst v2  }
0xca: {  	v2 =	vld.idx.msk [tilespmem:v3+s5+$0x0], $0xffff;
	_ =	sdelay $0x1  }
0xcb: {  	v3 =	vor.u32 $0x2000, v5;
	_ =	sdelay $0x2  }
0xcc: {  	s21 =	sand.u32 $0xFFFFFFF0, s7;
	v2 =	vnsel vm0, $0x0, v2  }
0xcd: {  	[tilespmem:s21+$0xA800] =	vst v2  }
0xce: {  	v2 =	vld.idx.msk [tilespmem:v3+s5+$0x0], $0xffff;
	_ =	sdelay $0x1  }
0xcf: {  	v3 =	vor.u32 $0x3000, v5;
	_ =	sdelay $0x2  }
0xd0: {  	v2 =	vnsel vm0, $0x0, v2  }
0xd1: {  	[tilespmem:s21+$0xB000] =	vst v2  }
0xd2: {  	v2 =	vld.idx.msk [tilespmem:v3+s5+$0x0], $0xffff;
	_ =	sdelay $0x4  }
0xd3: {  	v2 =	vnsel vm0, $0x0, v2  }
0xd4: {  	[tilespmem:s21+$0xB800] =	vst v2  }
.LBB2_14:
0xd5: {  	s1 =	sshll.u32 s16, $0x1  }
0xd6: {  	s7 =	sshll.u32 s16, $0x5;
	s6 =	sadd.s32 s4, s1  }
0xd7: {  	s7 =	sand.u32 $0x60, s7;
	s6 =	sshll.u32 s6, $0x8  }
0xd8: {  	s7 =	sadd.s32 s3, s7;
	s20 =	sand.u32 $0x7F800, s6  }
0xd9: {  	s6 =	sadd.s32 s20, s7  }
0xda: {  	[hbm4b:s6+s22] =	stream.strided.scatter [tilespmem:s23], [sflag:$0x1], $0x800, s14, s22, $0x38;
	[tilespmem:$0xE000] =	vst v63  }
0xdb: {  	s8 =	sadd.s32 $0x80000, s6  }
0xdc: {  	[hbm4b:s8+s22] =	stream.strided.scatter [tilespmem:s24], [sflag:$0x1], $0x800, s14, s22, $0x38;
	[tilespmem:$0xE000] =	vst v63  }
0xdd: {  	s21 =	sadd.s32 $0x100000, s6  }
0xde: {  	[hbm4b:s21+s22] =	stream.strided.scatter [tilespmem:s25], [sflag:$0x1], $0x800, s14, s22, $0x38;
	[tilespmem:$0xE000] =	vst v63  }
0xdf: {  	p1 =	slt.s32 s17, $0x1;
	s6 =	sadd.s32 $0x180000, s6  }
0xe0: {  	[hbm4b:s6+s22] =	stream.strided.scatter [tilespmem:s26], [sflag:$0x1], $0x800, s14, s22, $0x38;
	[tilespmem:$0xE000] =	vst v63  }
.Ltmp11:
0xe1: {  	_ = 	snop;
	(pc) =	sbr.rel @p1 .LBB2_18-.Ltmp11, $4  }
0xe2: {  	s6 =	simm.s32 @!p0 $0x2  }
0xe3: {  	_ =	swait.ge @!p0 [sflag:s6], $0x2000  }
0xe4: {  	[sflag:s6] =	ssyncset.done @!p0 $0x0  }
0xe5: {  	[sflag:s6] =	ssyncadd.s32 @!p0 $0xFFFFE000;
	s6 =	simm.s32 $0x0  }
0xe6: {  	p0 =	sne.s32 s17, $0x1  }
.Ltmp12:
0xe7: {  	_ = 	snop;
	(pc) =	sbr.rel @!p0 .LBB2_17-.Ltmp12, $2  }
0xe8: {  	_ =	sdelay $0x2  }
0xe9: {  	s8 =	sadd.s32 $0xFFFFFFFF, s17;
	s7 =	sand.u32 $0xFFFFFFF0, s6  }
.LBB2_16:
0xea: {  	p0 =	sne.s32 s8, $0x1;
	s8 =	sadd.s32 $0xFFFFFFFF, s8;
	[tilespmem:s7+$0xD800] =	vst v0;
	s6 =	sadd.s32 $0x10, s6  }
.Ltmp13:
0xeb: {  	[tilespmem:s7+$0xD000] =	vst v0;
	(pc) =	sbr.rel @p0 .LBB2_16-.Ltmp13, $3  }
0xec: {  	[tilespmem:s7+$0xC000] =	vst v0  }
0xed: {  	[tilespmem:s7+$0xC800] =	vst v0;
	_ =	sdelay $0x1  }
0xee: {  	s7 =	sand.u32 $0xFFFFFFF0, s6  }
.LBB2_17:
0xef: {  	[tilespmem:s7+$0xD800] =	vst v0  }
0xf0: {  	[tilespmem:s7+$0xD000] =	vst v0  }
0xf1: {  	[tilespmem:s7+$0xC000] =	vst v0  }
0xf2: {  	[tilespmem:s7+$0xC800] =	vst v0  }
.LBB2_18:
0xf3: {  	s21 =	sor.u32 $0x1, s1  }
0xf4: {  	s1 =	sshll.u32 s21, $0x7  }
0xf5: {  	v2 =	vld [tilespmem:s1+$0x8000];
	_ =	sdelay $0x4  }
0xf6: {  	v2 =	vxor.u32 $0x80000000, v2  }
0xf7: {  	(xrf0) =	vmax.scan.msk.u32 $0xffff, v2;
	_ =	sdelay $0x5  }
0xf8: {  	v2, _, _ =	vpop (xrf0)  }
0xf9: {  	(v2sf) =	vpush v2, $0xF;
	_ =	sdelay $0xe  }
0xfa: {  	s6 =	spop (v2sf)  }
0xfb: {  	s17 =	sxor.u32 $0x80000000, s6  }
0xfc: {  	p0 =	slt.s32 s17, $0x1  }
.Ltmp14:
0xfd: {  	_ = 	snop;
	(pc) =	sbr.rel @p0 .LBB2_24-.Ltmp14, $3  }
0xfe: {  	_ =	sdelay $0x1  }
0xff: {  	v3 =	vld [tilespmem:s1+$0x6000]  }
0x100: {  	v2 =	vld [tilespmem:s1+$0x4000];
	s1 =	simm.s32 $0x0  }
0x101: {  	p1 =	sne.s32 s17, $0x1  }
.Ltmp15:
0x102: {  	_ = 	snop;
	(pc) =	sbr.rel @!p1 .LBB2_20-.Ltmp15, $2  }
0x103: {  	_ =	sdelay $0x2  }
0x104: {  	v6 =	vor.u32 s1, v1;
	s7 =	sadd.s32 $0xFFFFFFFF, s17;
	p0 =	por $0x0, $0x0  }
0x105: {  	v4 =	vcvt.s32.f32 v6;
	_ =	sdelay $0x1  }
0x106: {  	v4 =	vmul.f32 $3.535547260e-01, v4;
	_ =	sdelay $0x1  }
0x107: {  	v5 =	vmul.f32 v4, v2;
	v4 =	vmul.f32 v4, v3;
	_ =	sdelay $0x1  }
0x108: {  	v5 =	vadd.f32 $5.120000000e+02, v5;
	v6 =	vsub.f32 $2.000000000e+00, v4;
	_ =	sdelay $0x1  }
0x109: {  	v4 =	vtrunc.f32 v5;
	v7 =	vtrunc.f32 v6  }
0x10a: {  	v4 =	vcvt.f32.s32 v4;
	v7 =	vcvt.f32.s32 v7;
	_ =	sdelay $0x1  }
0x10b: {  	vm0 =	vgt.s32 v4, $0x0;
	vm1 =	vgt.s32 v7, $0x0  }
0x10c: {  	v4 =	vnsel vm0, $0x0, v4;
	v7 =	vnsel vm1, $0x0, v7  }
0x10d: {  	v4 =	vmin.u32 v4, $0x3FF;
	v7 =	vmin.u32 v7, $0x3  }
0x10e: {  	v8 =	vand.u32 $0x7F, v4;
	v4 =	vshll.u32 v4, $0x2;
	v7 =	vshll.u32 v7, $0x7  }
0x10f: {  	v4 =	vand.u32 $0xE00, v4;
	v7 =	vor.u32 v7, v8  }
0x110: {  	v4 =	vor.u32 v4, v7;
	_ =	sdelay $0x4  }
0x111: {  	v7 =	vld.idx.msk [tilespmem:v4+s5+$0x0], $0xffff  }
0x112: {  	vm0 =	vge.f32 v5, $0.0e+00;
	vm1 =	vge.f32 v6, $0.0e+00  }
0x113: {  	vm2 =	vlt.f32 v5, $1.024000000e+03;
	vm0 =	vmand vm0, vm1;
	v5 =	vor.u32 $0x1000, v4  }
0x114: {  	p1 =	sne.s32 s7, $0x1;
	vm1 =	vlt.f32 v6, $4.000000000e+00;
	vm0 =	vmand vm0, vm2  }
.Ltmp16:
0x115: {  	vm0 =	vmand vm1, vm0;
	(pc) =	sbr.rel @!p1 .LBB2_23-.Ltmp16, $4  }
0x116: {  	s6 =	sand.u32 $0xFFFFFFF0, s1;
	v6 =	vnsel vm0, $0x0, v7  }
0x117: {  	[tilespmem:s6+$0xC000] =	vst v6  }
0x118: {  	s1 =	sadd.s32 $0x10, s1;
	v5 =	vld.idx.msk [tilespmem:v5+s5+$0x0], $0xffff  }
0x119: {  	s7 =	sadd.s32 $0xFFFFFFFF, s7;
	p0 =	por $0x1, $0x1;
	v6 =	vor.u32 s1, v1  }
.LBB2_22:
0x11a: {  	p1 =	sne.s32 s7, $0x1;
	v6 =	vcvt.s32.f32 v6;
	v7 =	vor.u32 $0x2000, v4;
	_ =	sdelay $0x1  }
0x11b: {  	v6 =	vmul.f32 $3.535547260e-01, v6  }
0x11c: {  	v5 =	vnsel vm0, $0x0, v5  }
0x11d: {  	v8 =	vmul.f32 v6, v2;
	v6 =	vmul.f32 v6, v3;
	[tilespmem:s6+$0xC800] =	vst v5  }
0x11e: {  	v5 =	vld.idx.msk [tilespmem:v7+s5+$0x0], $0xffff  }
0x11f: {  	v7 =	vadd.f32 $5.120000000e+02, v8;
	v6 =	vsub.f32 $2.000000000e+00, v6;
	_ =	sdelay $0x1  }
0x120: {  	v4 =	vor.u32 $0x3000, v4;
	v8 =	vtrunc.f32 v7;
	v9 =	vtrunc.f32 v6  }
0x121: {  	v8 =	vcvt.f32.s32 v8;
	v9 =	vcvt.f32.s32 v9;
	_ =	sdelay $0x1  }
0x122: {  	v5 =	vnsel vm0, $0x0, v5;
	vm1 =	vgt.s32 v8, $0x0;
	vm2 =	vgt.s32 v9, $0x0  }
0x123: {  	v8 =	vnsel vm1, $0x0, v8;
	v9 =	vnsel vm2, $0x0, v9;
	[tilespmem:s6+$0xD000] =	vst v5  }
0x124: {  	v5 =	vmin.u32 v8, $0x3FF;
	v8 =	vmin.u32 v9, $0x3;
	v9 =	vld.idx.msk [tilespmem:v4+s5+$0x0], $0xffff  }
0x125: {  	v4 =	vand.u32 $0x7F, v5;
	v5 =	vshll.u32 v5, $0x2;
	v8 =	vshll.u32 v8, $0x7  }
0x126: {  	v5 =	vand.u32 $0xE00, v5;
	v4 =	vor.u32 v8, v4  }
0x127: {  	v4 =	vor.u32 v5, v4;
	_ =	sdelay $0x2  }
0x128: {  	v5 =	vnsel vm0, $0x0, v9  }
0x129: {  	[tilespmem:s6+$0xD800] =	vst v5  }
0x12a: {  	v5 =	vld.idx.msk [tilespmem:v4+s5+$0x0], $0xffff;
	_ =	sdelay $0x1  }
0x12b: {  	vm1 =	vge.f32 v6, $0.0e+00;
	vm0 =	vge.f32 v7, $0.0e+00  }
0x12c: {  	vm2 =	vlt.f32 v7, $1.024000000e+03;
	v7 =	vor.u32 $0x1000, v4;
	vm0 =	vmand vm0, vm1  }
0x12d: {  	vm1 =	vlt.f32 v6, $4.000000000e+00;
	vm0 =	vmand vm0, vm2  }
0x12e: {  	vm0 =	vmand vm1, vm0  }
.Ltmp17:
0x12f: {  	s6 =	sand.u32 $0xFFFFFFF0, s1;
	v5 =	vnsel vm0, $0x0, v5;
	(pc) =	sbr.rel @p1 .LBB2_22-.Ltmp17, $4  }
0x130: {  	[tilespmem:s6+$0xC000] =	vst v5  }
0x131: {  	v5 =	vld.idx.msk [tilespmem:v7+s5+$0x0], $0xffff  }
0x132: {  	s1 =	sadd.s32 $0x10, s1  }
0x133: {  	s7 =	sadd.s32 $0xFFFFFFFF, s7;
	v6 =	vor.u32 s1, v1  }
.Ltmp18:
0x134: {  	_ = 	snop;
	(pc) =	sbr.rel .LBB2_23-.Ltmp18, $1  }
0x135: {  	_ =	sdelay $0x3  }
.LBB2_8:
.Ltmp19:
0x136: {  	(pc) =	sbr.rel .LBB2_13-.Ltmp19, $2  }
0x137: {  	_ =	sdelay $0x2  }
0x138: {  	s21 =	simm.s32 $0xA000  }
.LBB2_10:
.Ltmp20:
0x139: {  	(pc) =	sbr.rel .LBB2_13-.Ltmp20, $2  }
0x13a: {  	_ =	sdelay $0x2  }
0x13b: {  	s21 =	simm.s32 $0xA000;
	s7 =	simm.s32 $0x10  }
.LBB2_26:
0x13c: {  	_ =	sfence.sel $0x180000  }
0x13d: {  	[bflag:$0x0] =	sbarrier.arrive $0xFFFF  }
0x13e: {  	_ =	strace $0x90000047  }
0x13f: {  	s0 =	stileid.u32;
	[bflag:$0x2] =	sbarrier.arrive $0xFFFF  }
0x140: {  	p0 =	sne.s32 s0, $0x0;
	s0 =	rddreg [dreg:$0x3]  }
0x141: {  	s0 =	sadd.s32 @!p0 $0x100000, s0  }
0x142: {  	[sflag:s0] =	ssyncadd.tile.s32 @!p0 $0x1;
	_ =	shalt  }
.Lfunc_end2:
_tile_overlayer_lowered:
.L_overlay_start_2:
0x143: {  	(tag) =	ssettag $0x2  }
0x144: {  	s0 =	rddreg [dreg:$0x0];
	s2 =	stileid.u32  }
0x145: {  	s1 =	rddreg [dreg:$0x1];
	p0 =	sne.s32 s2, $0x0  }
0x146: {  	s3 =	rddreg [dreg:$0x2];
	[bflag:$0x3] =	sbarrier.arrive $0xFFFF;
	s2 =	simm.s32 @!p0 $0x1C03  }
0x147: {  	[timem:s3], [sflag:s2] =	dma.local @!p0 [hbm:s0], s1  }
0x148: {  	s0 =	simm.s32 @!p0 $0x3  }
0x149: {  	_ =	swait.ge @!p0 [sflag:s0], s1  }
0x14a: {  	s1 =	ssub.s32 @!p0 $0x0, s1;
	[sflag:s0] =	ssyncset.done @!p0 $0x0  }
0x14b: {  	[sflag:s0] =	ssyncadd.s32 @!p0 s1  }
0x14c: {  	[bflag:$0x3] =	sbarrier.arrive $0xFFFF  }
0x14d: {  	_ =	shalt  }

</sc_bundles>
